<compile_context>
chip_gen: v7x
topology: tpu7x:2x2x1
jax: 0.10.2.dev20260603
libtpu: 0.0.44.dev20260713+nightly
codegen_flags: <defaults>
</compile_context>

<pallas_src>
import functools

import jax
import jax.numpy as jnp
from jax import lax
from jax.experimental import pallas as pl
from jax.experimental.pallas import tpu as pltpu
from jax.experimental.pallas import tpu_sc as plsc

N_GROUP = 4
INPUT_DIM_GROUP = 250000
OUT_DIM = 16
B = 16384
S = 50
NW = 32
BPW = B // NW
IDX_COLS = 128
G_PER_S = BPW // IDX_COLS
V_PER_S = BPW // 16

_mesh = plsc.VectorSubcoreMesh(core_axis_name="c", subcore_axis_name="s")


@functools.partial(
    pl.kernel,
    out_type=jax.ShapeDtypeStruct((1, S, OUT_DIM, B), jnp.float32),
    mesh=_mesh,
    scratch_types=[
        pltpu.VMEM((1, BPW), jnp.int32),
        pltpu.VMEM((1, S, BPW), jnp.int32),
        pltpu.VMEM((2, G_PER_S, IDX_COLS), jnp.int32),
        pltpu.VMEM((2, BPW, OUT_DIM), jnp.float32),
        pltpu.VMEM((2, 1, 1, OUT_DIM, BPW + 1), jnp.float32),
        pltpu.SemaphoreType.DMA,
        pltpu.SemaphoreType.DMA,
        pltpu.SemaphoreType.DMA,
        pltpu.SemaphoreType.DMA,
    ],
    compiler_params=pltpu.CompilerParams(
        needs_layout_passes=False, use_tc_tiling_on_sc=False
    ),
)
def _sc_gather(idx_hbm, grp_hbm, table_hbm, out_hbm,
               grp_v, idx_v, gidx_v, rows_v, rowt_v,
               sem0, sem1, semw0, semw1):
    nc = lax.axis_size("c")
    wid = lax.axis_index("s") * nc + lax.axis_index("c")
    b0 = wid * BPW

    pltpu.sync_copy(grp_hbm.at[pl.ds(0, 1), pl.ds(b0, BPW)], grp_v)
    pltpu.sync_copy(idx_hbm.at[pl.ds(0, 1), pl.ds(0, S), pl.ds(b0, BPW)], idx_v)

    lanes = lax.iota(jnp.int32, 16)
    zeros = lanes * 0
    sems = (sem0, sem1)
    semws = (semw0, semw1)

    def remap(s, buf):
        def body(j, _):
            x = idx_v[0, s, pl.ds(j * 16, 16)]
            g = grp_v[0, pl.ds(j * 16, 16)]
            gidx_v[buf, j // 8, pl.ds((j % 8) * 16, 16)] = x + g * INPUT_DIM_GROUP
            return 0
        lax.fori_loop(0, V_PER_S, body, 0)

    def fire(buf):
        for j in range(G_PER_S):
            pltpu.async_copy(
                table_hbm.at[gidx_v.at[buf, j]],
                rows_v.at[buf, pl.ds(j * IDX_COLS, IDX_COLS)],
                sems[buf],
            )

    def drain(buf):
        pltpu.make_async_copy(
            table_hbm.at[pl.ds(0, BPW)], rows_v.at[buf], sems[buf]
        ).wait()

    def out_slice(s):
        return out_hbm.at[
            pl.ds(0, 1), pl.ds(s, 1), pl.ds(0, OUT_DIM), pl.ds(b0, BPW)
        ]

    def rowt_slice(buf):
        return rowt_v.at[
            buf, pl.ds(0, 1), pl.ds(0, 1), pl.ds(0, OUT_DIM), pl.ds(0, BPW)
        ]

    def wait_write(buf):
        pltpu.make_async_copy(rowt_slice(buf), out_slice(0), semws[buf]).wait()

    def transpose_write(s, buf):
        def tp(j, _):
            for u in range(8):
                b = j * 8 + u
                v = rows_v[buf, b, pl.ds(0, OUT_DIM)]
                plsc.store_scatter(
                    rowt_v, [zeros + buf, zeros, zeros, lanes, zeros + b], v
                )
            return 0
        lax.fori_loop(0, BPW // 8, tp, 0)
        pltpu.async_copy(rowt_slice(buf), out_slice(s), semws[buf])

    remap(0, 0)
    fire(0)
    remap(1, 1)
    fire(1)

    def step(k, _):
        for h in range(2):
            s = 2 * k + h
            drain(h)

            @pl.when(k > 0)
            def _():
                wait_write(h)

            transpose_write(s, h)
            remap(s + 2, h)
            fire(h)
        return 0

    lax.fori_loop(0, S // 2 - 1, step, 0)
    for h in range(2):
        s = S - 2 + h
        drain(h)
        wait_write(h)
        transpose_write(s, h)
    wait_write(0)
    wait_write(1)


def kernel(indices, group, table):
    idx_t = jnp.transpose(indices, (1, 2, 0))
    grp_t = jnp.transpose(group, (1, 0))
    out_t = _sc_gather(idx_t, grp_t, table)
    return jnp.transpose(out_t, (3, 0, 1, 2))

# --- scband reference (transcript-rebuilt; emitter-appended) ---
"""Pipeline reference for scband-embedding-group-9594956939620 (READ-ONLY COPY).

The authoritative reference and input builder live on the scoring server;
editing this copy changes nothing except your own understanding.
"""

import jax, jax.numpy as jnp
import numpy as np

N_GROUP = 4
INPUT_DIM_GROUP = 250000  # per-group rows; total table rows = 1000000
OUTPUT_DIM = 16
GROUP_LEVEL = 0


def setup_inputs(seed: int = 0) -> dict:
    key = jax.random.key(seed)
    k1, k2, k3 = jax.random.split(key, 3)
    indices = jax.random.randint(k1, (16384, 1, 50), 0, INPUT_DIM_GROUP, dtype=jnp.int32)
    group = jax.random.randint(k2, (16384, 1), 0, N_GROUP, dtype=jnp.int32)
    # Learned embedding table of the wrapped Embedding layer: flat over (n_group * input_dim_group)
    table = jax.random.normal(k3, (N_GROUP * INPUT_DIM_GROUP, OUTPUT_DIM), dtype=jnp.float32) * 0.05
    return {"indices": indices, "group": group, "table": table}


def reference(indices, group, table):
    # group_id = inputs[-1][:, group_level]; expand twice -> [B, 1, 1]
    group_id = group[:, GROUP_LEVEL]
    group_id = group_id[:, None]
    group_id = group_id[:, :, None]
    # mask_zero=False path of _map_embedding_indices
    indices_flat = indices + group_id * INPUT_DIM_GROUP
    # wrapped Embedding layer lookup
    out = jnp.take(table, indices_flat, axis=0)
    return out

if __name__ == "__main__":
    import jax
    _d = setup_inputs()
    print(jax.jit(kernel)(*tuple(_d.values())))

</pallas_src>

<mosaic_0001>
#map = affine_map<(d0, d1) -> (0, 0, 0)>
#map1 = affine_map<(d0, d1) -> (0, 0)>
#map2 = affine_map<(d0, d1) -> (0, 0, 0, 0)>
module attributes {stable_mosaic.version = 14 : i64} {
  func.func @_sc_gather(%arg0: i32, %arg1: i32, %arg2: memref<1x50x16384xi32, #tpu.memory_space<hbm>>, %arg3: memref<1x16384xi32, #tpu.memory_space<hbm>>, %arg4: memref<1000000x16xf32, #tpu.memory_space<hbm>>, %arg5: memref<1x50x16x16384xf32, #tpu.memory_space<hbm>>, %arg6: memref<1x512xi32, #tpu.memory_space<vmem>>, %arg7: memref<1x50x512xi32, #tpu.memory_space<vmem>>, %arg8: memref<2x4x128xi32, #tpu.memory_space<vmem>>, %arg9: memref<2x512x16xf32, #tpu.memory_space<vmem>>, %arg10: memref<2x1x1x16x513xf32, #tpu.memory_space<vmem>>, %arg11: memref<!tpu.dma_semaphore, #tpu.memory_space<semaphore_mem>>, %arg12: memref<!tpu.dma_semaphore, #tpu.memory_space<semaphore_mem>>, %arg13: memref<!tpu.dma_semaphore, #tpu.memory_space<semaphore_mem>>, %arg14: memref<!tpu.dma_semaphore, #tpu.memory_space<semaphore_mem>>) attributes {dimension_semantics = [#tpu.dimension_semantics<core_parallel>, #tpu.dimension_semantics<subcore_parallel>], iteration_bounds = array<i64: 2, 16>, scalar_prefetch = 0 : i64, scratch_operands = 9 : i64, tpu.core_type = #tpu.core_type<sc_vector_subcore>, window_params = [{transform_indices = #map}, {transform_indices = #map1}, {transform_indices = #map1}, {transform_indices = #map2}]} {
    %mul3A = arith.constant 2 : i32
    %mul3A_0 = arith.muli %arg1, %mul3A : i32
    %add3A = arith.addi %mul3A_0, %arg0 : i32
    %mul3A_1 = arith.constant 512 : i32
    %mul3A_2 = arith.muli %add3A, %mul3A_1 : i32
    "tpu.region"() ({
      %run_scoped3A = tpu.sem_alloc : memref<!tpu.dma_semaphore, #tpu.memory_space<semaphore_mem>>
      %dma_start3A_298 = arith.constant 0 : i32
      %dma_start3A_299 = tpu.memref_slice %arg3[%dma_start3A_298, %mul3A_2] : memref<1x16384xi32, #tpu.memory_space<hbm>> -> memref<1x512xi32, #tpu.memory_space<hbm>>
      %dma_start3A_300 = arith.constant 0 : i32
      %dma_start3A_301 = tpu.memref_slice %arg3[%dma_start3A_300, %mul3A_2] : memref<1x16384xi32, #tpu.memory_space<hbm>> -> memref<1x512xi32, #tpu.memory_space<hbm>>
      tpu.enqueue_dma source(%dma_start3A_301 : memref<1x512xi32, #tpu.memory_space<hbm>>) target(%arg6 : memref<1x512xi32, #tpu.memory_space<vmem>>) target_semaphore(%run_scoped3A : memref<!tpu.dma_semaphore, #tpu.memory_space<semaphore_mem>>)
      %dma_wait3A_302 = arith.constant 0 : i32
      %dma_wait3A_303 = tpu.memref_slice %arg3[%dma_wait3A_302, %mul3A_2] : memref<1x16384xi32, #tpu.memory_space<hbm>> -> memref<1x512xi32, #tpu.memory_space<hbm>>
      %dma_wait3A_304 = arith.constant 0 : i32
      %dma_wait3A_305 = tpu.memref_slice %arg3[%dma_wait3A_304, %mul3A_2] : memref<1x16384xi32, #tpu.memory_space<hbm>> -> memref<1x512xi32, #tpu.memory_space<hbm>>
      tpu.wait_dma2 semaphore(%run_scoped3A : memref<!tpu.dma_semaphore, #tpu.memory_space<semaphore_mem>>) src(%dma_wait3A_305 : memref<1x512xi32, #tpu.memory_space<hbm>>) dst(%arg6 : memref<1x512xi32, #tpu.memory_space<vmem>>)
      tpu.yield
    }) : () -> ()
    "tpu.region"() ({
      %run_scoped3A = tpu.sem_alloc : memref<!tpu.dma_semaphore, #tpu.memory_space<semaphore_mem>>
      %dma_start3A_298 = arith.constant 0 : i32
      %dma_start3A_299 = arith.constant 0 : i32
      %dma_start3A_300 = tpu.memref_slice %arg2[%dma_start3A_298, %dma_start3A_299, %mul3A_2] : memref<1x50x16384xi32, #tpu.memory_space<hbm>> -> memref<1x50x512xi32, #tpu.memory_space<hbm>>
      %dma_start3A_301 = arith.constant 0 : i32
      %dma_start3A_302 = arith.constant 0 : i32
      %dma_start3A_303 = tpu.memref_slice %arg2[%dma_start3A_301, %dma_start3A_302, %mul3A_2] : memref<1x50x16384xi32, #tpu.memory_space<hbm>> -> memref<1x50x512xi32, #tpu.memory_space<hbm>>
      tpu.enqueue_dma source(%dma_start3A_303 : memref<1x50x512xi32, #tpu.memory_space<hbm>>) target(%arg7 : memref<1x50x512xi32, #tpu.memory_space<vmem>>) target_semaphore(%run_scoped3A : memref<!tpu.dma_semaphore, #tpu.memory_space<semaphore_mem>>)
      %dma_wait3A_304 = arith.constant 0 : i32
      %dma_wait3A_305 = arith.constant 0 : i32
      %dma_wait3A_306 = tpu.memref_slice %arg2[%dma_wait3A_304, %dma_wait3A_305, %mul3A_2] : memref<1x50x16384xi32, #tpu.memory_space<hbm>> -> memref<1x50x512xi32, #tpu.memory_space<hbm>>
      %dma_wait3A_307 = arith.constant 0 : i32
      %dma_wait3A_308 = arith.constant 0 : i32
      %dma_wait3A_309 = tpu.memref_slice %arg2[%dma_wait3A_307, %dma_wait3A_308, %mul3A_2] : memref<1x50x16384xi32, #tpu.memory_space<hbm>> -> memref<1x50x512xi32, #tpu.memory_space<hbm>>
      tpu.wait_dma2 semaphore(%run_scoped3A : memref<!tpu.dma_semaphore, #tpu.memory_space<semaphore_mem>>) src(%dma_wait3A_309 : memref<1x50x512xi32, #tpu.memory_space<hbm>>) dst(%arg7 : memref<1x50x512xi32, #tpu.memory_space<vmem>>)
      tpu.yield
    }) : () -> ()
    %iota3A = tpu.iota {dimensions = array<i32: 0>} : vector<16xi32>
    %mul3A_3 = arith.constant 0 : i32
    %mul3A_4 = vector.broadcast %mul3A_3 : i32 to vector<16xi32>
    %mul3A_5 = arith.muli %iota3A, %mul3A_4 : vector<16xi32>
    %scan3A = arith.constant 0 : i32
    %scan3A_6 = arith.constant 0 : i32
    %scan3A_7 = arith.constant 32 : i32
    %scan3A_8 = arith.addi %scan3A_6, %scan3A_7 : i32
    %scan3A_9 = arith.constant 1 : i32
    %scan3A_10 = scf.for %scan3A_298 = %scan3A_6 to %scan3A_8 step %scan3A_9 iter_args(%scan3A_299 = %scan3A) -> (i32)  : i32 {
      %mul3A_300 = arith.constant 16 : i32
      %mul3A_301 = arith.muli %scan3A_298, %mul3A_300 : i32
      %get3A = arith.constant 0 : i32
      %get3A_302 = arith.constant 0 : i32
      %get3A_303 = arith.index_cast %get3A : i32 to index
      %get3A_304 = arith.index_cast %get3A_302 : i32 to index
      %get3A_305 = arith.index_cast %mul3A_301 : i32 to index
      %get3A_306 = tpu.vector_load %arg7[%get3A_303, %get3A_304, %get3A_305] {strides = array<i32>} : memref<1x50x512xi32, #tpu.memory_space<vmem>>, vector<16xi32>,
      %mul3A_307 = arith.constant 16 : i32
      %mul3A_308 = arith.muli %scan3A_298, %mul3A_307 : i32
      %get3A_309 = arith.constant 0 : i32
      %get3A_310 = arith.index_cast %get3A_309 : i32 to index
      %get3A_311 = arith.index_cast %mul3A_308 : i32 to index
      %get3A_312 = tpu.vector_load %arg6[%get3A_310, %get3A_311] {strides = array<i32>} : memref<1x512xi32, #tpu.memory_space<vmem>>, vector<16xi32>,
      %mul3A_313 = arith.constant 250000 : i32
      %mul3A_314 = vector.broadcast %mul3A_313 : i32 to vector<16xi32>
      %mul3A_315 = arith.muli %get3A_312, %mul3A_314 : vector<16xi32>
      %add3A_316 = arith.addi %get3A_306, %mul3A_315 : vector<16xi32>
      %jit3A = arith.constant 8 : i32
      %div3A = arith.divsi %scan3A_298, %jit3A : i32
      %sign3A = arith.constant 0 : i32
      %sign3A_317 = arith.cmpi sgt, %scan3A_298, %sign3A : i32
      %sign3A_318 = arith.extui %sign3A_317 : i1 to i32
      %sign3A_319 = arith.constant 0 : i32
      %sign3A_320 = arith.cmpi slt, %scan3A_298, %sign3A_319 : i32
      %sign3A_321 = arith.extui %sign3A_320 : i1 to i32
      %sign3A_322 = arith.subi %sign3A_318, %sign3A_321 : i32
      %sign3A_323 = arith.constant 0 : i32
      %sign3A_324 = arith.cmpi sgt, %jit3A, %sign3A_323 : i32
      %sign3A_325 = arith.extui %sign3A_324 : i1 to i32
      %sign3A_326 = arith.constant 0 : i32
      %sign3A_327 = arith.cmpi slt, %jit3A, %sign3A_326 : i32
      %sign3A_328 = arith.extui %sign3A_327 : i1 to i32
      %sign3A_329 = arith.subi %sign3A_325, %sign3A_328 : i32
      %ne3A = arith.cmpi ne, %sign3A_322, %sign3A_329 : i32
      %rem3A = arith.remsi %scan3A_298, %jit3A : i32
      %ne3A_330 = arith.constant 0 : i32
      %ne3A_331 = arith.cmpi ne, %rem3A, %ne3A_330 : i32
      %and3A = arith.andi %ne3A, %ne3A_331 : i1
      %sub3A = arith.constant 1 : i32
      %sub3A_332 = arith.subi %div3A, %sub3A : i32
      %select_n3A = arith.select %and3A, %sub3A_332, %div3A : i32
      %jit3A_333 = arith.constant 8 : i32
      %eq3A = arith.constant 0 : i32
      %eq3A_334 = arith.cmpi eq, %jit3A_333, %eq3A : i32
      %jit3A_335 = arith.constant 1 : i32
      %select_n3A_336 = arith.select %eq3A_334, %jit3A_335, %jit3A_333 : i32
      %rem3A_337 = arith.remsi %scan3A_298, %select_n3A_336 : i32
      %ne3A_338 = arith.constant 0 : i32
      %ne3A_339 = arith.cmpi ne, %rem3A_337, %ne3A_338 : i32
      %lt3A = arith.constant 0 : i32
      %lt3A_340 = arith.cmpi slt, %rem3A_337, %lt3A : i32
      %lt3A_341 = arith.constant 0 : i32
      %lt3A_342 = arith.cmpi slt, %select_n3A_336, %lt3A_341 : i32
      %ne3A_343 = arith.xori %lt3A_340, %lt3A_342 : i1
      %and3A_344 = arith.andi %ne3A_343, %ne3A_339 : i1
      %add3A_345 = arith.addi %rem3A_337, %select_n3A_336 : i32
      %select_n3A_346 = arith.select %and3A_344, %add3A_345, %rem3A_337 : i32
      %mul3A_347 = arith.constant 16 : i32
      %mul3A_348 = arith.muli %select_n3A_346, %mul3A_347 : i32
      %swap3A = arith.constant 0 : i32
      %swap3A_349 = arith.index_cast %swap3A : i32 to index
      %swap3A_350 = arith.index_cast %select_n3A : i32 to index
      %swap3A_351 = arith.index_cast %mul3A_348 : i32 to index
      %swap3A_352 = tpu.vector_load %arg8[%swap3A_349, %swap3A_350, %swap3A_351] {strides = array<i32>} : memref<2x4x128xi32, #tpu.memory_space<vmem>>, vector<16xi32>,
      tpu.vector_store %arg8[%swap3A_349, %swap3A_350, %swap3A_351], %add3A_316 {strides = array<i32>} : memref<2x4x128xi32, #tpu.memory_space<vmem>>, vector<16xi32>,
      %scan3A_353 = arith.constant 0 : i32
      scf.yield %scan3A_353 : i32
    }
    %scan3A_11 = arith.constant 32 : i32
    %dma_start3A = arith.constant 0 : i32
    %dma_start3A_12 = arith.constant 0 : i32
    %dma_start3A_13 = arith.constant 0 : i32
    %dma_start3A_14 = arith.constant 0 : i32
    %dma_start3A_15 = arith.constant 0 : i32
    %dma_start3A_16 = tpu.memref_slice %arg9[%dma_start3A_13, %dma_start3A_14, %dma_start3A_15] : memref<2x512x16xf32, #tpu.memory_space<vmem>> -> memref<1x128x16xf32, #tpu.memory_space<vmem>>
    %dma_start3A_17 = tpu.memref_squeeze %dma_start3A_16 : memref<1x128x16xf32, #tpu.memory_space<vmem>> -> memref<128x16xf32, #tpu.memory_space<vmem>>
    %dma_start3A_18 = arith.constant 0 : i32
    %dma_start3A_19 = tpu.memref_slice %arg8[%dma_start3A, %dma_start3A_12, %dma_start3A_18] : memref<2x4x128xi32, #tpu.memory_space<vmem>> -> memref<1x1x128xi32, #tpu.memory_space<vmem>>
    %dma_start3A_20 = tpu.memref_squeeze %dma_start3A_19 : memref<1x1x128xi32, #tpu.memory_space<vmem>> -> memref<128xi32, #tpu.memory_space<vmem>>
    %dma_start3A_21 = arith.constant 0 : i32
    %dma_start3A_22 = arith.constant 0 : i32
    %dma_start3A_23 = tpu.memref_slice %arg4[%dma_start3A_21, %dma_start3A_22] : memref<1000000x16xf32, #tpu.memory_space<hbm>> -> memref<1000000x16xf32, #tpu.memory_space<hbm>>
    tpu.enqueue_indirect_dma source(%dma_start3A_23 : memref<1000000x16xf32, #tpu.memory_space<hbm>>) target(%dma_start3A_17 : memref<128x16xf32, #tpu.memory_space<vmem>>) offsets(%dma_start3A_20 : memref<128xi32, #tpu.memory_space<vmem>>) semaphore(%arg11 : memref<!tpu.dma_semaphore, #tpu.memory_space<semaphore_mem>>)
    %dma_start3A_24 = arith.constant 0 : i32
    %dma_start3A_25 = arith.constant 1 : i32
    %dma_start3A_26 = arith.constant 0 : i32
    %dma_start3A_27 = arith.constant 128 : i32
    %dma_start3A_28 = arith.constant 0 : i32
    %dma_start3A_29 = tpu.memref_slice %arg9[%dma_start3A_26, %dma_start3A_27, %dma_start3A_28] : memref<2x512x16xf32, #tpu.memory_space<vmem>> -> memref<1x128x16xf32, #tpu.memory_space<vmem>>
    %dma_start3A_30 = tpu.memref_squeeze %dma_start3A_29 : memref<1x128x16xf32, #tpu.memory_space<vmem>> -> memref<128x16xf32, #tpu.memory_space<vmem>>
    %dma_start3A_31 = arith.constant 0 : i32
    %dma_start3A_32 = tpu.memref_slice %arg8[%dma_start3A_24, %dma_start3A_25, %dma_start3A_31] : memref<2x4x128xi32, #tpu.memory_space<vmem>> -> memref<1x1x128xi32, #tpu.memory_space<vmem>>
    %dma_start3A_33 = tpu.memref_squeeze %dma_start3A_32 : memref<1x1x128xi32, #tpu.memory_space<vmem>> -> memref<128xi32, #tpu.memory_space<vmem>>
    %dma_start3A_34 = arith.constant 0 : i32
    %dma_start3A_35 = arith.constant 0 : i32
    %dma_start3A_36 = tpu.memref_slice %arg4[%dma_start3A_34, %dma_start3A_35] : memref<1000000x16xf32, #tpu.memory_space<hbm>> -> memref<1000000x16xf32, #tpu.memory_space<hbm>>
    tpu.enqueue_indirect_dma source(%dma_start3A_36 : memref<1000000x16xf32, #tpu.memory_space<hbm>>) target(%dma_start3A_30 : memref<128x16xf32, #tpu.memory_space<vmem>>) offsets(%dma_start3A_33 : memref<128xi32, #tpu.memory_space<vmem>>) semaphore(%arg11 : memref<!tpu.dma_semaphore, #tpu.memory_space<semaphore_mem>>)
    %dma_start3A_37 = arith.constant 0 : i32
    %dma_start3A_38 = arith.constant 2 : i32
    %dma_start3A_39 = arith.constant 0 : i32
    %dma_start3A_40 = arith.constant 256 : i32
    %dma_start3A_41 = arith.constant 0 : i32
    %dma_start3A_42 = tpu.memref_slice %arg9[%dma_start3A_39, %dma_start3A_40, %dma_start3A_41] : memref<2x512x16xf32, #tpu.memory_space<vmem>> -> memref<1x128x16xf32, #tpu.memory_space<vmem>>
    %dma_start3A_43 = tpu.memref_squeeze %dma_start3A_42 : memref<1x128x16xf32, #tpu.memory_space<vmem>> -> memref<128x16xf32, #tpu.memory_space<vmem>>
    %dma_start3A_44 = arith.constant 0 : i32
    %dma_start3A_45 = tpu.memref_slice %arg8[%dma_start3A_37, %dma_start3A_38, %dma_start3A_44] : memref<2x4x128xi32, #tpu.memory_space<vmem>> -> memref<1x1x128xi32, #tpu.memory_space<vmem>>
    %dma_start3A_46 = tpu.memref_squeeze %dma_start3A_45 : memref<1x1x128xi32, #tpu.memory_space<vmem>> -> memref<128xi32, #tpu.memory_space<vmem>>
    %dma_start3A_47 = arith.constant 0 : i32
    %dma_start3A_48 = arith.constant 0 : i32
    %dma_start3A_49 = tpu.memref_slice %arg4[%dma_start3A_47, %dma_start3A_48] : memref<1000000x16xf32, #tpu.memory_space<hbm>> -> memref<1000000x16xf32, #tpu.memory_space<hbm>>
    tpu.enqueue_indirect_dma source(%dma_start3A_49 : memref<1000000x16xf32, #tpu.memory_space<hbm>>) target(%dma_start3A_43 : memref<128x16xf32, #tpu.memory_space<vmem>>) offsets(%dma_start3A_46 : memref<128xi32, #tpu.memory_space<vmem>>) semaphore(%arg11 : memref<!tpu.dma_semaphore, #tpu.memory_space<semaphore_mem>>)
    %dma_start3A_50 = arith.constant 0 : i32
    %dma_start3A_51 = arith.constant 3 : i32
    %dma_start3A_52 = arith.constant 0 : i32
    %dma_start3A_53 = arith.constant 384 : i32
    %dma_start3A_54 = arith.constant 0 : i32
    %dma_start3A_55 = tpu.memref_slice %arg9[%dma_start3A_52, %dma_start3A_53, %dma_start3A_54] : memref<2x512x16xf32, #tpu.memory_space<vmem>> -> memref<1x128x16xf32, #tpu.memory_space<vmem>>
    %dma_start3A_56 = tpu.memref_squeeze %dma_start3A_55 : memref<1x128x16xf32, #tpu.memory_space<vmem>> -> memref<128x16xf32, #tpu.memory_space<vmem>>
    %dma_start3A_57 = arith.constant 0 : i32
    %dma_start3A_58 = tpu.memref_slice %arg8[%dma_start3A_50, %dma_start3A_51, %dma_start3A_57] : memref<2x4x128xi32, #tpu.memory_space<vmem>> -> memref<1x1x128xi32, #tpu.memory_space<vmem>>
    %dma_start3A_59 = tpu.memref_squeeze %dma_start3A_58 : memref<1x1x128xi32, #tpu.memory_space<vmem>> -> memref<128xi32, #tpu.memory_space<vmem>>
    %dma_start3A_60 = arith.constant 0 : i32
    %dma_start3A_61 = arith.constant 0 : i32
    %dma_start3A_62 = tpu.memref_slice %arg4[%dma_start3A_60, %dma_start3A_61] : memref<1000000x16xf32, #tpu.memory_space<hbm>> -> memref<1000000x16xf32, #tpu.memory_space<hbm>>
    tpu.enqueue_indirect_dma source(%dma_start3A_62 : memref<1000000x16xf32, #tpu.memory_space<hbm>>) target(%dma_start3A_56 : memref<128x16xf32, #tpu.memory_space<vmem>>) offsets(%dma_start3A_59 : memref<128xi32, #tpu.memory_space<vmem>>) semaphore(%arg11 : memref<!tpu.dma_semaphore, #tpu.memory_space<semaphore_mem>>)
    %scan3A_63 = arith.constant 0 : i32
    %scan3A_64 = arith.constant 0 : i32
    %scan3A_65 = arith.constant 32 : i32
    %scan3A_66 = arith.addi %scan3A_64, %scan3A_65 : i32
    %scan3A_67 = arith.constant 1 : i32
    %scan3A_68 = scf.for %scan3A_298 = %scan3A_64 to %scan3A_66 step %scan3A_67 iter_args(%scan3A_299 = %scan3A_63) -> (i32)  : i32 {
      %mul3A_300 = arith.constant 16 : i32
      %mul3A_301 = arith.muli %scan3A_298, %mul3A_300 : i32
      %get3A = arith.constant 0 : i32
      %get3A_302 = arith.constant 1 : i32
      %get3A_303 = arith.index_cast %get3A : i32 to index
      %get3A_304 = arith.index_cast %get3A_302 : i32 to index
      %get3A_305 = arith.index_cast %mul3A_301 : i32 to index
      %get3A_306 = tpu.vector_load %arg7[%get3A_303, %get3A_304, %get3A_305] {strides = array<i32>} : memref<1x50x512xi32, #tpu.memory_space<vmem>>, vector<16xi32>,
      %mul3A_307 = arith.constant 16 : i32
      %mul3A_308 = arith.muli %scan3A_298, %mul3A_307 : i32
      %get3A_309 = arith.constant 0 : i32
      %get3A_310 = arith.index_cast %get3A_309 : i32 to index
      %get3A_311 = arith.index_cast %mul3A_308 : i32 to index
      %get3A_312 = tpu.vector_load %arg6[%get3A_310, %get3A_311] {strides = array<i32>} : memref<1x512xi32, #tpu.memory_space<vmem>>, vector<16xi32>,
      %mul3A_313 = arith.constant 250000 : i32
      %mul3A_314 = vector.broadcast %mul3A_313 : i32 to vector<16xi32>
      %mul3A_315 = arith.muli %get3A_312, %mul3A_314 : vector<16xi32>
      %add3A_316 = arith.addi %get3A_306, %mul3A_315 : vector<16xi32>
      %jit3A = arith.constant 8 : i32
      %div3A = arith.divsi %scan3A_298, %jit3A : i32
      %sign3A = arith.constant 0 : i32
      %sign3A_317 = arith.cmpi sgt, %scan3A_298, %sign3A : i32
      %sign3A_318 = arith.extui %sign3A_317 : i1 to i32
      %sign3A_319 = arith.constant 0 : i32
      %sign3A_320 = arith.cmpi slt, %scan3A_298, %sign3A_319 : i32
      %sign3A_321 = arith.extui %sign3A_320 : i1 to i32
      %sign3A_322 = arith.subi %sign3A_318, %sign3A_321 : i32
      %sign3A_323 = arith.constant 0 : i32
      %sign3A_324 = arith.cmpi sgt, %jit3A, %sign3A_323 : i32
      %sign3A_325 = arith.extui %sign3A_324 : i1 to i32
      %sign3A_326 = arith.constant 0 : i32
      %sign3A_327 = arith.cmpi slt, %jit3A, %sign3A_326 : i32
      %sign3A_328 = arith.extui %sign3A_327 : i1 to i32
      %sign3A_329 = arith.subi %sign3A_325, %sign3A_328 : i32
      %ne3A = arith.cmpi ne, %sign3A_322, %sign3A_329 : i32
      %rem3A = arith.remsi %scan3A_298, %jit3A : i32
      %ne3A_330 = arith.constant 0 : i32
      %ne3A_331 = arith.cmpi ne, %rem3A, %ne3A_330 : i32
      %and3A = arith.andi %ne3A, %ne3A_331 : i1
      %sub3A = arith.constant 1 : i32
      %sub3A_332 = arith.subi %div3A, %sub3A : i32
      %select_n3A = arith.select %and3A, %sub3A_332, %div3A : i32
      %jit3A_333 = arith.constant 8 : i32
      %eq3A = arith.constant 0 : i32
      %eq3A_334 = arith.cmpi eq, %jit3A_333, %eq3A : i32
      %jit3A_335 = arith.constant 1 : i32
      %select_n3A_336 = arith.select %eq3A_334, %jit3A_335, %jit3A_333 : i32
      %rem3A_337 = arith.remsi %scan3A_298, %select_n3A_336 : i32
      %ne3A_338 = arith.constant 0 : i32
      %ne3A_339 = arith.cmpi ne, %rem3A_337, %ne3A_338 : i32
      %lt3A = arith.constant 0 : i32
      %lt3A_340 = arith.cmpi slt, %rem3A_337, %lt3A : i32
      %lt3A_341 = arith.constant 0 : i32
      %lt3A_342 = arith.cmpi slt, %select_n3A_336, %lt3A_341 : i32
      %ne3A_343 = arith.xori %lt3A_340, %lt3A_342 : i1
      %and3A_344 = arith.andi %ne3A_343, %ne3A_339 : i1
      %add3A_345 = arith.addi %rem3A_337, %select_n3A_336 : i32
      %select_n3A_346 = arith.select %and3A_344, %add3A_345, %rem3A_337 : i32
      %mul3A_347 = arith.constant 16 : i32
      %mul3A_348 = arith.muli %select_n3A_346, %mul3A_347 : i32
      %swap3A = arith.constant 1 : i32
      %swap3A_349 = arith.index_cast %swap3A : i32 to index
      %swap3A_350 = arith.index_cast %select_n3A : i32 to index
      %swap3A_351 = arith.index_cast %mul3A_348 : i32 to index
      %swap3A_352 = tpu.vector_load %arg8[%swap3A_349, %swap3A_350, %swap3A_351] {strides = array<i32>} : memref<2x4x128xi32, #tpu.memory_space<vmem>>, vector<16xi32>,
      tpu.vector_store %arg8[%swap3A_349, %swap3A_350, %swap3A_351], %add3A_316 {strides = array<i32>} : memref<2x4x128xi32, #tpu.memory_space<vmem>>, vector<16xi32>,
      %scan3A_353 = arith.constant 0 : i32
      scf.yield %scan3A_353 : i32
    }
    %scan3A_69 = arith.constant 32 : i32
    %dma_start3A_70 = arith.constant 1 : i32
    %dma_start3A_71 = arith.constant 0 : i32
    %dma_start3A_72 = arith.constant 1 : i32
    %dma_start3A_73 = arith.constant 0 : i32
    %dma_start3A_74 = arith.constant 0 : i32
    %dma_start3A_75 = tpu.memref_slice %arg9[%dma_start3A_72, %dma_start3A_73, %dma_start3A_74] : memref<2x512x16xf32, #tpu.memory_space<vmem>> -> memref<1x128x16xf32, #tpu.memory_space<vmem>>
    %dma_start3A_76 = tpu.memref_squeeze %dma_start3A_75 : memref<1x128x16xf32, #tpu.memory_space<vmem>> -> memref<128x16xf32, #tpu.memory_space<vmem>>
    %dma_start3A_77 = arith.constant 0 : i32
    %dma_start3A_78 = tpu.memref_slice %arg8[%dma_start3A_70, %dma_start3A_71, %dma_start3A_77] : memref<2x4x128xi32, #tpu.memory_space<vmem>> -> memref<1x1x128xi32, #tpu.memory_space<vmem>>
    %dma_start3A_79 = tpu.memref_squeeze %dma_start3A_78 : memref<1x1x128xi32, #tpu.memory_space<vmem>> -> memref<128xi32, #tpu.memory_space<vmem>>
    %dma_start3A_80 = arith.constant 0 : i32
    %dma_start3A_81 = arith.constant 0 : i32
    %dma_start3A_82 = tpu.memref_slice %arg4[%dma_start3A_80, %dma_start3A_81] : memref<1000000x16xf32, #tpu.memory_space<hbm>> -> memref<1000000x16xf32, #tpu.memory_space<hbm>>
    tpu.enqueue_indirect_dma source(%dma_start3A_82 : memref<1000000x16xf32, #tpu.memory_space<hbm>>) target(%dma_start3A_76 : memref<128x16xf32, #tpu.memory_space<vmem>>) offsets(%dma_start3A_79 : memref<128xi32, #tpu.memory_space<vmem>>) semaphore(%arg12 : memref<!tpu.dma_semaphore, #tpu.memory_space<semaphore_mem>>)
    %dma_start3A_83 = arith.constant 1 : i32
    %dma_start3A_84 = arith.constant 1 : i32
    %dma_start3A_85 = arith.constant 1 : i32
    %dma_start3A_86 = arith.constant 128 : i32
    %dma_start3A_87 = arith.constant 0 : i32
    %dma_start3A_88 = tpu.memref_slice %arg9[%dma_start3A_85, %dma_start3A_86, %dma_start3A_87] : memref<2x512x16xf32, #tpu.memory_space<vmem>> -> memref<1x128x16xf32, #tpu.memory_space<vmem>>
    %dma_start3A_89 = tpu.memref_squeeze %dma_start3A_88 : memref<1x128x16xf32, #tpu.memory_space<vmem>> -> memref<128x16xf32, #tpu.memory_space<vmem>>
    %dma_start3A_90 = arith.constant 0 : i32
    %dma_start3A_91 = tpu.memref_slice %arg8[%dma_start3A_83, %dma_start3A_84, %dma_start3A_90] : memref<2x4x128xi32, #tpu.memory_space<vmem>> -> memref<1x1x128xi32, #tpu.memory_space<vmem>>
    %dma_start3A_92 = tpu.memref_squeeze %dma_start3A_91 : memref<1x1x128xi32, #tpu.memory_space<vmem>> -> memref<128xi32, #tpu.memory_space<vmem>>
    %dma_start3A_93 = arith.constant 0 : i32
    %dma_start3A_94 = arith.constant 0 : i32
    %dma_start3A_95 = tpu.memref_slice %arg4[%dma_start3A_93, %dma_start3A_94] : memref<1000000x16xf32, #tpu.memory_space<hbm>> -> memref<1000000x16xf32, #tpu.memory_space<hbm>>
    tpu.enqueue_indirect_dma source(%dma_start3A_95 : memref<1000000x16xf32, #tpu.memory_space<hbm>>) target(%dma_start3A_89 : memref<128x16xf32, #tpu.memory_space<vmem>>) offsets(%dma_start3A_92 : memref<128xi32, #tpu.memory_space<vmem>>) semaphore(%arg12 : memref<!tpu.dma_semaphore, #tpu.memory_space<semaphore_mem>>)
    %dma_start3A_96 = arith.constant 1 : i32
    %dma_start3A_97 = arith.constant 2 : i32
    %dma_start3A_98 = arith.constant 1 : i32
    %dma_start3A_99 = arith.constant 256 : i32
    %dma_start3A_100 = arith.constant 0 : i32
    %dma_start3A_101 = tpu.memref_slice %arg9[%dma_start3A_98, %dma_start3A_99, %dma_start3A_100] : memref<2x512x16xf32, #tpu.memory_space<vmem>> -> memref<1x128x16xf32, #tpu.memory_space<vmem>>
    %dma_start3A_102 = tpu.memref_squeeze %dma_start3A_101 : memref<1x128x16xf32, #tpu.memory_space<vmem>> -> memref<128x16xf32, #tpu.memory_space<vmem>>
    %dma_start3A_103 = arith.constant 0 : i32
    %dma_start3A_104 = tpu.memref_slice %arg8[%dma_start3A_96, %dma_start3A_97, %dma_start3A_103] : memref<2x4x128xi32, #tpu.memory_space<vmem>> -> memref<1x1x128xi32, #tpu.memory_space<vmem>>
    %dma_start3A_105 = tpu.memref_squeeze %dma_start3A_104 : memref<1x1x128xi32, #tpu.memory_space<vmem>> -> memref<128xi32, #tpu.memory_space<vmem>>
    %dma_start3A_106 = arith.constant 0 : i32
    %dma_start3A_107 = arith.constant 0 : i32
    %dma_start3A_108 = tpu.memref_slice %arg4[%dma_start3A_106, %dma_start3A_107] : memref<1000000x16xf32, #tpu.memory_space<hbm>> -> memref<1000000x16xf32, #tpu.memory_space<hbm>>
    tpu.enqueue_indirect_dma source(%dma_start3A_108 : memref<1000000x16xf32, #tpu.memory_space<hbm>>) target(%dma_start3A_102 : memref<128x16xf32, #tpu.memory_space<vmem>>) offsets(%dma_start3A_105 : memref<128xi32, #tpu.memory_space<vmem>>) semaphore(%arg12 : memref<!tpu.dma_semaphore, #tpu.memory_space<semaphore_mem>>)
    %dma_start3A_109 = arith.constant 1 : i32
    %dma_start3A_110 = arith.constant 3 : i32
    %dma_start3A_111 = arith.constant 1 : i32
    %dma_start3A_112 = arith.constant 384 : i32
    %dma_start3A_113 = arith.constant 0 : i32
    %dma_start3A_114 = tpu.memref_slice %arg9[%dma_start3A_111, %dma_start3A_112, %dma_start3A_113] : memref<2x512x16xf32, #tpu.memory_space<vmem>> -> memref<1x128x16xf32, #tpu.memory_space<vmem>>
    %dma_start3A_115 = tpu.memref_squeeze %dma_start3A_114 : memref<1x128x16xf32, #tpu.memory_space<vmem>> -> memref<128x16xf32, #tpu.memory_space<vmem>>
    %dma_start3A_116 = arith.constant 0 : i32
    %dma_start3A_117 = tpu.memref_slice %arg8[%dma_start3A_109, %dma_start3A_110, %dma_start3A_116] : memref<2x4x128xi32, #tpu.memory_space<vmem>> -> memref<1x1x128xi32, #tpu.memory_space<vmem>>
    %dma_start3A_118 = tpu.memref_squeeze %dma_start3A_117 : memref<1x1x128xi32, #tpu.memory_space<vmem>> -> memref<128xi32, #tpu.memory_space<vmem>>
    %dma_start3A_119 = arith.constant 0 : i32
    %dma_start3A_120 = arith.constant 0 : i32
    %dma_start3A_121 = tpu.memref_slice %arg4[%dma_start3A_119, %dma_start3A_120] : memref<1000000x16xf32, #tpu.memory_space<hbm>> -> memref<1000000x16xf32, #tpu.memory_space<hbm>>
    tpu.enqueue_indirect_dma source(%dma_start3A_121 : memref<1000000x16xf32, #tpu.memory_space<hbm>>) target(%dma_start3A_115 : memref<128x16xf32, #tpu.memory_space<vmem>>) offsets(%dma_start3A_118 : memref<128xi32, #tpu.memory_space<vmem>>) semaphore(%arg12 : memref<!tpu.dma_semaphore, #tpu.memory_space<semaphore_mem>>)
    %scan3A_122 = arith.constant 0 : i32
    %scan3A_123 = arith.constant 0 : i32
    %scan3A_124 = arith.constant 24 : i32
    %scan3A_125 = arith.addi %scan3A_123, %scan3A_124 : i32
    %scan3A_126 = arith.constant 1 : i32
    %scan3A_127 = scf.for %scan3A_298 = %scan3A_123 to %scan3A_125 step %scan3A_126 iter_args(%scan3A_299 = %scan3A_122) -> (i32)  : i32 {
      %mul3A_300 = arith.constant 2 : i32
      %mul3A_301 = arith.muli %mul3A_300, %scan3A_298 : i32
      %add3A_302 = arith.constant 0 : i32
      %add3A_303 = arith.addi %mul3A_301, %add3A_302 : i32
      %dma_wait3A_304 = arith.constant 0 : i32
      %dma_wait3A_305 = arith.constant 0 : i32
      %dma_wait3A_306 = arith.constant 0 : i32
      %dma_wait3A_307 = tpu.memref_slice %arg9[%dma_wait3A_304, %dma_wait3A_305, %dma_wait3A_306] : memref<2x512x16xf32, #tpu.memory_space<vmem>> -> memref<1x512x16xf32, #tpu.memory_space<vmem>>
      %dma_wait3A_308 = tpu.memref_squeeze %dma_wait3A_307 : memref<1x512x16xf32, #tpu.memory_space<vmem>> -> memref<512x16xf32, #tpu.memory_space<vmem>>
      %dma_wait3A_309 = arith.constant 0 : i32
      %dma_wait3A_310 = arith.constant 0 : i32
      %dma_wait3A_311 = tpu.memref_slice %arg4[%dma_wait3A_309, %dma_wait3A_310] : memref<1000000x16xf32, #tpu.memory_space<hbm>> -> memref<512x16xf32, #tpu.memory_space<hbm>>
      %dma_wait3A_312 = arith.constant 0 : i32
      %dma_wait3A_313 = arith.constant 0 : i32
      %dma_wait3A_314 = tpu.memref_slice %arg9[%dma_wait3A_304, %dma_wait3A_312, %dma_wait3A_313] : memref<2x512x16xf32, #tpu.memory_space<vmem>> -> memref<1x512x16xf32, #tpu.memory_space<vmem>>
      %dma_wait3A_315 = tpu.memref_squeeze %dma_wait3A_314 : memref<1x512x16xf32, #tpu.memory_space<vmem>> -> memref<512x16xf32, #tpu.memory_space<vmem>>
      %dma_wait3A_316 = arith.constant 0 : i32
      %dma_wait3A_317 = arith.constant 0 : i32
      %dma_wait3A_318 = tpu.memref_slice %arg4[%dma_wait3A_316, %dma_wait3A_317] : memref<1000000x16xf32, #tpu.memory_space<hbm>> -> memref<512x16xf32, #tpu.memory_space<hbm>>
      tpu.wait_dma2 semaphore(%arg11 : memref<!tpu.dma_semaphore, #tpu.memory_space<semaphore_mem>>) src(%dma_wait3A_318 : memref<512x16xf32, #tpu.memory_space<hbm>>) dst(%dma_wait3A_315 : memref<512x16xf32, #tpu.memory_space<vmem>>)
      %gt3A = arith.constant 0 : i32
      %gt3A_319 = arith.cmpi sgt, %scan3A_298, %gt3A : i32
      %convert_element_type3A = arith.extui %gt3A_319 : i1 to i32
      %cond3A = arith.constant 0 : i32
      %cond3A_320 = arith.cmpi ne, %convert_element_type3A, %cond3A : i32
      scf.if %cond3A_320 {
        %dma_wait3A_520 = arith.constant 0 : i32
        %dma_wait3A_521 = arith.constant 0 : i32
        %dma_wait3A_522 = arith.constant 0 : i32
        %dma_wait3A_523 = arith.constant 0 : i32
        %dma_wait3A_524 = arith.constant 0 : i32
        %dma_wait3A_525 = tpu.memref_slice %arg10[%dma_wait3A_520, %dma_wait3A_521, %dma_wait3A_522, %dma_wait3A_523, %dma_wait3A_524] : memref<2x1x1x16x513xf32, #tpu.memory_space<vmem>> -> memref<1x1x1x16x512xf32, #tpu.memory_space<vmem>>
        %dma_wait3A_526 = tpu.memref_squeeze %dma_wait3A_525 : memref<1x1x1x16x512xf32, #tpu.memory_space<vmem>> -> memref<1x1x16x512xf32, #tpu.memory_space<vmem>>
        %dma_wait3A_527 = arith.constant 0 : i32
        %dma_wait3A_528 = arith.constant 0 : i32
        %dma_wait3A_529 = arith.constant 0 : i32
        %dma_wait3A_530 = tpu.memref_slice %arg5[%dma_wait3A_527, %dma_wait3A_528, %dma_wait3A_529, %mul3A_2] : memref<1x50x16x16384xf32, #tpu.memory_space<hbm>> -> memref<1x1x16x512xf32, #tpu.memory_space<hbm>>
        %dma_wait3A_531 = arith.constant 0 : i32
        %dma_wait3A_532 = arith.constant 0 : i32
        %dma_wait3A_533 = arith.constant 0 : i32
        %dma_wait3A_534 = tpu.memref_slice %arg5[%dma_wait3A_531, %dma_wait3A_532, %dma_wait3A_533, %mul3A_2] : memref<1x50x16x16384xf32, #tpu.memory_space<hbm>> -> memref<1x1x16x512xf32, #tpu.memory_space<hbm>>
        %dma_wait3A_535 = arith.constant 0 : i32
        %dma_wait3A_536 = arith.constant 0 : i32
        %dma_wait3A_537 = arith.constant 0 : i32
        %dma_wait3A_538 = arith.constant 0 : i32
        %dma_wait3A_539 = tpu.memref_slice %arg10[%dma_wait3A_520, %dma_wait3A_535, %dma_wait3A_536, %dma_wait3A_537, %dma_wait3A_538] : memref<2x1x1x16x513xf32, #tpu.memory_space<vmem>> -> memref<1x1x1x16x512xf32, #tpu.memory_space<vmem>>
        %dma_wait3A_540 = tpu.memref_squeeze %dma_wait3A_539 : memref<1x1x1x16x512xf32, #tpu.memory_space<vmem>> -> memref<1x1x16x512xf32, #tpu.memory_space<vmem>>
        tpu.wait_dma2 semaphore(%arg13 : memref<!tpu.dma_semaphore, #tpu.memory_space<semaphore_mem>>) src(%dma_wait3A_540 : memref<1x1x16x512xf32, #tpu.memory_space<vmem>>) dst(%dma_wait3A_534 : memref<1x1x16x512xf32, #tpu.memory_space<hbm>>)
      } else {
      }
      %scan3A_321 = arith.constant 0 : i32
      %scan3A_322 = arith.constant 0 : i32
      %scan3A_323 = arith.constant 64 : i32
      %scan3A_324 = arith.addi %scan3A_322, %scan3A_323 : i32
      %scan3A_325 = arith.constant 1 : i32
      %scan3A_326 = scf.for %scan3A_520 = %scan3A_322 to %scan3A_324 step %scan3A_325 iter_args(%scan3A_521 = %scan3A_321) -> (i32)  : i32 {
        %mul3A_522 = arith.constant 8 : i32
        %mul3A_523 = arith.muli %scan3A_520, %mul3A_522 : i32
        %add3A_524 = arith.constant 0 : i32
        %add3A_525 = arith.addi %mul3A_523, %add3A_524 : i32
        %get3A = arith.constant 0 : i32
        %get3A_526 = arith.index_cast %get3A : i32 to index
        %get3A_527 = arith.index_cast %add3A_525 : i32 to index
        %get3A_528 = arith.constant 0 : index
        %get3A_529 = tpu.vector_load %arg9[%get3A_526, %get3A_527, %get3A_528] {strides = array<i32>} : memref<2x512x16xf32, #tpu.memory_space<vmem>>, vector<16xf32>,
        %add3A_530 = arith.constant 0 : i32
        %add3A_531 = vector.broadcast %add3A_530 : i32 to vector<16xi32>
        %add3A_532 = arith.addi %mul3A_5, %add3A_531 : vector<16xi32>
        %add3A_533 = vector.broadcast %add3A_525 : i32 to vector<16xi32>
        %add3A_534 = arith.addi %mul3A_5, %add3A_533 : vector<16xi32>
        tpu.vector_store_idx %arg10[%add3A_532, %mul3A_5, %mul3A_5, %iota3A, %add3A_534], %get3A_529 : memref<2x1x1x16x513xf32, #tpu.memory_space<vmem>>[vector<16xi32>, vector<16xi32>, vector<16xi32>, vector<16xi32>, vector<16xi32>], vector<16xf32>,
        %mul3A_535 = arith.constant 8 : i32
        %mul3A_536 = arith.muli %scan3A_520, %mul3A_535 : i32
        %add3A_537 = arith.constant 1 : i32
        %add3A_538 = arith.addi %mul3A_536, %add3A_537 : i32
        %get3A_539 = arith.constant 0 : i32
        %get3A_540 = arith.index_cast %get3A_539 : i32 to index
        %get3A_541 = arith.index_cast %add3A_538 : i32 to index
        %get3A_542 = arith.constant 0 : index
        %get3A_543 = tpu.vector_load %arg9[%get3A_540, %get3A_541, %get3A_542] {strides = array<i32>} : memref<2x512x16xf32, #tpu.memory_space<vmem>>, vector<16xf32>,
        %add3A_544 = arith.constant 0 : i32
        %add3A_545 = vector.broadcast %add3A_544 : i32 to vector<16xi32>
        %add3A_546 = arith.addi %mul3A_5, %add3A_545 : vector<16xi32>
        %add3A_547 = vector.broadcast %add3A_538 : i32 to vector<16xi32>
        %add3A_548 = arith.addi %mul3A_5, %add3A_547 : vector<16xi32>
        tpu.vector_store_idx %arg10[%add3A_546, %mul3A_5, %mul3A_5, %iota3A, %add3A_548], %get3A_543 : memref<2x1x1x16x513xf32, #tpu.memory_space<vmem>>[vector<16xi32>, vector<16xi32>, vector<16xi32>, vector<16xi32>, vector<16xi32>], vector<16xf32>,
        %mul3A_549 = arith.constant 8 : i32
        %mul3A_550 = arith.muli %scan3A_520, %mul3A_549 : i32
        %add3A_551 = arith.constant 2 : i32
        %add3A_552 = arith.addi %mul3A_550, %add3A_551 : i32
        %get3A_553 = arith.constant 0 : i32
        %get3A_554 = arith.index_cast %get3A_553 : i32 to index
        %get3A_555 = arith.index_cast %add3A_552 : i32 to index
        %get3A_556 = arith.constant 0 : index
        %get3A_557 = tpu.vector_load %arg9[%get3A_554, %get3A_555, %get3A_556] {strides = array<i32>} : memref<2x512x16xf32, #tpu.memory_space<vmem>>, vector<16xf32>,
        %add3A_558 = arith.constant 0 : i32
        %add3A_559 = vector.broadcast %add3A_558 : i32 to vector<16xi32>
        %add3A_560 = arith.addi %mul3A_5, %add3A_559 : vector<16xi32>
        %add3A_561 = vector.broadcast %add3A_552 : i32 to vector<16xi32>
        %add3A_562 = arith.addi %mul3A_5, %add3A_561 : vector<16xi32>
        tpu.vector_store_idx %arg10[%add3A_560, %mul3A_5, %mul3A_5, %iota3A, %add3A_562], %get3A_557 : memref<2x1x1x16x513xf32, #tpu.memory_space<vmem>>[vector<16xi32>, vector<16xi32>, vector<16xi32>, vector<16xi32>, vector<16xi32>], vector<16xf32>,
        %mul3A_563 = arith.constant 8 : i32
        %mul3A_564 = arith.muli %scan3A_520, %mul3A_563 : i32
        %add3A_565 = arith.constant 3 : i32
        %add3A_566 = arith.addi %mul3A_564, %add3A_565 : i32
        %get3A_567 = arith.constant 0 : i32
        %get3A_568 = arith.index_cast %get3A_567 : i32 to index
        %get3A_569 = arith.index_cast %add3A_566 : i32 to index
        %get3A_570 = arith.constant 0 : index
        %get3A_571 = tpu.vector_load %arg9[%get3A_568, %get3A_569, %get3A_570] {strides = array<i32>} : memref<2x512x16xf32, #tpu.memory_space<vmem>>, vector<16xf32>,
        %add3A_572 = arith.constant 0 : i32
        %add3A_573 = vector.broadcast %add3A_572 : i32 to vector<16xi32>
        %add3A_574 = arith.addi %mul3A_5, %add3A_573 : vector<16xi32>
        %add3A_575 = vector.broadcast %add3A_566 : i32 to vector<16xi32>
        %add3A_576 = arith.addi %mul3A_5, %add3A_575 : vector<16xi32>
        tpu.vector_store_idx %arg10[%add3A_574, %mul3A_5, %mul3A_5, %iota3A, %add3A_576], %get3A_571 : memref<2x1x1x16x513xf32, #tpu.memory_space<vmem>>[vector<16xi32>, vector<16xi32>, vector<16xi32>, vector<16xi32>, vector<16xi32>], vector<16xf32>,
        %mul3A_577 = arith.constant 8 : i32
        %mul3A_578 = arith.muli %scan3A_520, %mul3A_577 : i32
        %add3A_579 = arith.constant 4 : i32
        %add3A_580 = arith.addi %mul3A_578, %add3A_579 : i32
        %get3A_581 = arith.constant 0 : i32
        %get3A_582 = arith.index_cast %get3A_581 : i32 to index
        %get3A_583 = arith.index_cast %add3A_580 : i32 to index
        %get3A_584 = arith.constant 0 : index
        %get3A_585 = tpu.vector_load %arg9[%get3A_582, %get3A_583, %get3A_584] {strides = array<i32>} : memref<2x512x16xf32, #tpu.memory_space<vmem>>, vector<16xf32>,
        %add3A_586 = arith.constant 0 : i32
        %add3A_587 = vector.broadcast %add3A_586 : i32 to vector<16xi32>
        %add3A_588 = arith.addi %mul3A_5, %add3A_587 : vector<16xi32>
        %add3A_589 = vector.broadcast %add3A_580 : i32 to vector<16xi32>
        %add3A_590 = arith.addi %mul3A_5, %add3A_589 : vector<16xi32>
        tpu.vector_store_idx %arg10[%add3A_588, %mul3A_5, %mul3A_5, %iota3A, %add3A_590], %get3A_585 : memref<2x1x1x16x513xf32, #tpu.memory_space<vmem>>[vector<16xi32>, vector<16xi32>, vector<16xi32>, vector<16xi32>, vector<16xi32>], vector<16xf32>,
        %mul3A_591 = arith.constant 8 : i32
        %mul3A_592 = arith.muli %scan3A_520, %mul3A_591 : i32
        %add3A_593 = arith.constant 5 : i32
        %add3A_594 = arith.addi %mul3A_592, %add3A_593 : i32
        %get3A_595 = arith.constant 0 : i32
        %get3A_596 = arith.index_cast %get3A_595 : i32 to index
        %get3A_597 = arith.index_cast %add3A_594 : i32 to index
        %get3A_598 = arith.constant 0 : index
        %get3A_599 = tpu.vector_load %arg9[%get3A_596, %get3A_597, %get3A_598] {strides = array<i32>} : memref<2x512x16xf32, #tpu.memory_space<vmem>>, vector<16xf32>,
        %add3A_600 = arith.constant 0 : i32
        %add3A_601 = vector.broadcast %add3A_600 : i32 to vector<16xi32>
        %add3A_602 = arith.addi %mul3A_5, %add3A_601 : vector<16xi32>
        %add3A_603 = vector.broadcast %add3A_594 : i32 to vector<16xi32>
        %add3A_604 = arith.addi %mul3A_5, %add3A_603 : vector<16xi32>
        tpu.vector_store_idx %arg10[%add3A_602, %mul3A_5, %mul3A_5, %iota3A, %add3A_604], %get3A_599 : memref<2x1x1x16x513xf32, #tpu.memory_space<vmem>>[vector<16xi32>, vector<16xi32>, vector<16xi32>, vector<16xi32>, vector<16xi32>], vector<16xf32>,
        %mul3A_605 = arith.constant 8 : i32
        %mul3A_606 = arith.muli %scan3A_520, %mul3A_605 : i32
        %add3A_607 = arith.constant 6 : i32
        %add3A_608 = arith.addi %mul3A_606, %add3A_607 : i32
        %get3A_609 = arith.constant 0 : i32
        %get3A_610 = arith.index_cast %get3A_609 : i32 to index
        %get3A_611 = arith.index_cast %add3A_608 : i32 to index
        %get3A_612 = arith.constant 0 : index
        %get3A_613 = tpu.vector_load %arg9[%get3A_610, %get3A_611, %get3A_612] {strides = array<i32>} : memref<2x512x16xf32, #tpu.memory_space<vmem>>, vector<16xf32>,
        %add3A_614 = arith.constant 0 : i32
        %add3A_615 = vector.broadcast %add3A_614 : i32 to vector<16xi32>
        %add3A_616 = arith.addi %mul3A_5, %add3A_615 : vector<16xi32>
        %add3A_617 = vector.broadcast %add3A_608 : i32 to vector<16xi32>
        %add3A_618 = arith.addi %mul3A_5, %add3A_617 : vector<16xi32>
        tpu.vector_store_idx %arg10[%add3A_616, %mul3A_5, %mul3A_5, %iota3A, %add3A_618], %get3A_613 : memref<2x1x1x16x513xf32, #tpu.memory_space<vmem>>[vector<16xi32>, vector<16xi32>, vector<16xi32>, vector<16xi32>, vector<16xi32>], vector<16xf32>,
        %mul3A_619 = arith.constant 8 : i32
        %mul3A_620 = arith.muli %scan3A_520, %mul3A_619 : i32
        %add3A_621 = arith.constant 7 : i32
        %add3A_622 = arith.addi %mul3A_620, %add3A_621 : i32
        %get3A_623 = arith.constant 0 : i32
        %get3A_624 = arith.index_cast %get3A_623 : i32 to index
        %get3A_625 = arith.index_cast %add3A_622 : i32 to index
        %get3A_626 = arith.constant 0 : index
        %get3A_627 = tpu.vector_load %arg9[%get3A_624, %get3A_625, %get3A_626] {strides = array<i32>} : memref<2x512x16xf32, #tpu.memory_space<vmem>>, vector<16xf32>,
        %add3A_628 = arith.constant 0 : i32
        %add3A_629 = vector.broadcast %add3A_628 : i32 to vector<16xi32>
        %add3A_630 = arith.addi %mul3A_5, %add3A_629 : vector<16xi32>
        %add3A_631 = vector.broadcast %add3A_622 : i32 to vector<16xi32>
        %add3A_632 = arith.addi %mul3A_5, %add3A_631 : vector<16xi32>
        tpu.vector_store_idx %arg10[%add3A_630, %mul3A_5, %mul3A_5, %iota3A, %add3A_632], %get3A_627 : memref<2x1x1x16x513xf32, #tpu.memory_space<vmem>>[vector<16xi32>, vector<16xi32>, vector<16xi32>, vector<16xi32>, vector<16xi32>], vector<16xf32>,
        %scan3A_633 = arith.constant 0 : i32
        scf.yield %scan3A_633 : i32
      }
      %scan3A_327 = arith.constant 64 : i32
      %dma_start3A_328 = arith.constant 0 : i32
      %dma_start3A_329 = arith.constant 0 : i32
      %dma_start3A_330 = arith.constant 0 : i32
      %dma_start3A_331 = arith.constant 0 : i32
      %dma_start3A_332 = arith.constant 0 : i32
      %dma_start3A_333 = tpu.memref_slice %arg10[%dma_start3A_328, %dma_start3A_329, %dma_start3A_330, %dma_start3A_331, %dma_start3A_332] : memref<2x1x1x16x513xf32, #tpu.memory_space<vmem>> -> memref<1x1x1x16x512xf32, #tpu.memory_space<vmem>>
      %dma_start3A_334 = tpu.memref_squeeze %dma_start3A_333 : memref<1x1x1x16x512xf32, #tpu.memory_space<vmem>> -> memref<1x1x16x512xf32, #tpu.memory_space<vmem>>
      %dma_start3A_335 = arith.constant 0 : i32
      %dma_start3A_336 = arith.constant 0 : i32
      %dma_start3A_337 = tpu.memref_slice %arg5[%dma_start3A_335, %add3A_303, %dma_start3A_336, %mul3A_2] : memref<1x50x16x16384xf32, #tpu.memory_space<hbm>> -> memref<1x1x16x512xf32, #tpu.memory_space<hbm>>
      %dma_start3A_338 = arith.constant 0 : i32
      %dma_start3A_339 = arith.constant 0 : i32
      %dma_start3A_340 = tpu.memref_slice %arg5[%dma_start3A_338, %add3A_303, %dma_start3A_339, %mul3A_2] : memref<1x50x16x16384xf32, #tpu.memory_space<hbm>> -> memref<1x1x16x512xf32, #tpu.memory_space<hbm>>
      %dma_start3A_341 = arith.constant 0 : i32
      %dma_start3A_342 = arith.constant 0 : i32
      %dma_start3A_343 = arith.constant 0 : i32
      %dma_start3A_344 = arith.constant 0 : i32
      %dma_start3A_345 = tpu.memref_slice %arg10[%dma_start3A_328, %dma_start3A_341, %dma_start3A_342, %dma_start3A_343, %dma_start3A_344] : memref<2x1x1x16x513xf32, #tpu.memory_space<vmem>> -> memref<1x1x1x16x512xf32, #tpu.memory_space<vmem>>
      %dma_start3A_346 = tpu.memref_squeeze %dma_start3A_345 : memref<1x1x1x16x512xf32, #tpu.memory_space<vmem>> -> memref<1x1x16x512xf32, #tpu.memory_space<vmem>>
      tpu.enqueue_dma source(%dma_start3A_346 : memref<1x1x16x512xf32, #tpu.memory_space<vmem>>) target(%dma_start3A_340 : memref<1x1x16x512xf32, #tpu.memory_space<hbm>>) target_semaphore(%arg13 : memref<!tpu.dma_semaphore, #tpu.memory_space<semaphore_mem>>)
      %add3A_347 = arith.constant 2 : i32
      %add3A_348 = arith.addi %add3A_303, %add3A_347 : i32
      %scan3A_349 = arith.constant 0 : i32
      %scan3A_350 = arith.constant 0 : i32
      %scan3A_351 = arith.constant 32 : i32
      %scan3A_352 = arith.addi %scan3A_350, %scan3A_351 : i32
      %scan3A_353 = arith.constant 1 : i32
      %scan3A_354 = scf.for %scan3A_520 = %scan3A_350 to %scan3A_352 step %scan3A_353 iter_args(%scan3A_521 = %scan3A_349) -> (i32)  : i32 {
        %mul3A_522 = arith.constant 16 : i32
        %mul3A_523 = arith.muli %scan3A_520, %mul3A_522 : i32
        %get3A = arith.constant 0 : i32
        %get3A_524 = arith.index_cast %get3A : i32 to index
        %get3A_525 = arith.index_cast %add3A_348 : i32 to index
        %get3A_526 = arith.index_cast %mul3A_523 : i32 to index
        %get3A_527 = tpu.vector_load %arg7[%get3A_524, %get3A_525, %get3A_526] {strides = array<i32>} : memref<1x50x512xi32, #tpu.memory_space<vmem>>, vector<16xi32>,
        %mul3A_528 = arith.constant 16 : i32
        %mul3A_529 = arith.muli %scan3A_520, %mul3A_528 : i32
        %get3A_530 = arith.constant 0 : i32
        %get3A_531 = arith.index_cast %get3A_530 : i32 to index
        %get3A_532 = arith.index_cast %mul3A_529 : i32 to index
        %get3A_533 = tpu.vector_load %arg6[%get3A_531, %get3A_532] {strides = array<i32>} : memref<1x512xi32, #tpu.memory_space<vmem>>, vector<16xi32>,
        %mul3A_534 = arith.constant 250000 : i32
        %mul3A_535 = vector.broadcast %mul3A_534 : i32 to vector<16xi32>
        %mul3A_536 = arith.muli %get3A_533, %mul3A_535 : vector<16xi32>
        %add3A_537 = arith.addi %get3A_527, %mul3A_536 : vector<16xi32>
        %jit3A = arith.constant 8 : i32
        %div3A = arith.divsi %scan3A_520, %jit3A : i32
        %sign3A = arith.constant 0 : i32
        %sign3A_538 = arith.cmpi sgt, %scan3A_520, %sign3A : i32
        %sign3A_539 = arith.extui %sign3A_538 : i1 to i32
        %sign3A_540 = arith.constant 0 : i32
        %sign3A_541 = arith.cmpi slt, %scan3A_520, %sign3A_540 : i32
        %sign3A_542 = arith.extui %sign3A_541 : i1 to i32
        %sign3A_543 = arith.subi %sign3A_539, %sign3A_542 : i32
        %sign3A_544 = arith.constant 0 : i32
        %sign3A_545 = arith.cmpi sgt, %jit3A, %sign3A_544 : i32
        %sign3A_546 = arith.extui %sign3A_545 : i1 to i32
        %sign3A_547 = arith.constant 0 : i32
        %sign3A_548 = arith.cmpi slt, %jit3A, %sign3A_547 : i32
        %sign3A_549 = arith.extui %sign3A_548 : i1 to i32
        %sign3A_550 = arith.subi %sign3A_546, %sign3A_549 : i32
        %ne3A = arith.cmpi ne, %sign3A_543, %sign3A_550 : i32
        %rem3A = arith.remsi %scan3A_520, %jit3A : i32
        %ne3A_551 = arith.constant 0 : i32
        %ne3A_552 = arith.cmpi ne, %rem3A, %ne3A_551 : i32
        %and3A = arith.andi %ne3A, %ne3A_552 : i1
        %sub3A = arith.constant 1 : i32
        %sub3A_553 = arith.subi %div3A, %sub3A : i32
        %select_n3A = arith.select %and3A, %sub3A_553, %div3A : i32
        %jit3A_554 = arith.constant 8 : i32
        %eq3A = arith.constant 0 : i32
        %eq3A_555 = arith.cmpi eq, %jit3A_554, %eq3A : i32
        %jit3A_556 = arith.constant 1 : i32
        %select_n3A_557 = arith.select %eq3A_555, %jit3A_556, %jit3A_554 : i32
        %rem3A_558 = arith.remsi %scan3A_520, %select_n3A_557 : i32
        %ne3A_559 = arith.constant 0 : i32
        %ne3A_560 = arith.cmpi ne, %rem3A_558, %ne3A_559 : i32
        %lt3A = arith.constant 0 : i32
        %lt3A_561 = arith.cmpi slt, %rem3A_558, %lt3A : i32
        %lt3A_562 = arith.constant 0 : i32
        %lt3A_563 = arith.cmpi slt, %select_n3A_557, %lt3A_562 : i32
        %ne3A_564 = arith.xori %lt3A_561, %lt3A_563 : i1
        %and3A_565 = arith.andi %ne3A_564, %ne3A_560 : i1
        %add3A_566 = arith.addi %rem3A_558, %select_n3A_557 : i32
        %select_n3A_567 = arith.select %and3A_565, %add3A_566, %rem3A_558 : i32
        %mul3A_568 = arith.constant 16 : i32
        %mul3A_569 = arith.muli %select_n3A_567, %mul3A_568 : i32
        %swap3A = arith.constant 0 : i32
        %swap3A_570 = arith.index_cast %swap3A : i32 to index
        %swap3A_571 = arith.index_cast %select_n3A : i32 to index
        %swap3A_572 = arith.index_cast %mul3A_569 : i32 to index
        %swap3A_573 = tpu.vector_load %arg8[%swap3A_570, %swap3A_571, %swap3A_572] {strides = array<i32>} : memref<2x4x128xi32, #tpu.memory_space<vmem>>, vector<16xi32>,
        tpu.vector_store %arg8[%swap3A_570, %swap3A_571, %swap3A_572], %add3A_537 {strides = array<i32>} : memref<2x4x128xi32, #tpu.memory_space<vmem>>, vector<16xi32>,
        %scan3A_574 = arith.constant 0 : i32
        scf.yield %scan3A_574 : i32
      }
      %scan3A_355 = arith.constant 32 : i32
      %dma_start3A_356 = arith.constant 0 : i32
      %dma_start3A_357 = arith.constant 0 : i32
      %dma_start3A_358 = arith.constant 0 : i32
      %dma_start3A_359 = arith.constant 0 : i32
      %dma_start3A_360 = arith.constant 0 : i32
      %dma_start3A_361 = tpu.memref_slice %arg9[%dma_start3A_358, %dma_start3A_359, %dma_start3A_360] : memref<2x512x16xf32, #tpu.memory_space<vmem>> -> memref<1x128x16xf32, #tpu.memory_space<vmem>>
      %dma_start3A_362 = tpu.memref_squeeze %dma_start3A_361 : memref<1x128x16xf32, #tpu.memory_space<vmem>> -> memref<128x16xf32, #tpu.memory_space<vmem>>
      %dma_start3A_363 = arith.constant 0 : i32
      %dma_start3A_364 = tpu.memref_slice %arg8[%dma_start3A_356, %dma_start3A_357, %dma_start3A_363] : memref<2x4x128xi32, #tpu.memory_space<vmem>> -> memref<1x1x128xi32, #tpu.memory_space<vmem>>
      %dma_start3A_365 = tpu.memref_squeeze %dma_start3A_364 : memref<1x1x128xi32, #tpu.memory_space<vmem>> -> memref<128xi32, #tpu.memory_space<vmem>>
      %dma_start3A_366 = arith.constant 0 : i32
      %dma_start3A_367 = arith.constant 0 : i32
      %dma_start3A_368 = tpu.memref_slice %arg4[%dma_start3A_366, %dma_start3A_367] : memref<1000000x16xf32, #tpu.memory_space<hbm>> -> memref<1000000x16xf32, #tpu.memory_space<hbm>>
      tpu.enqueue_indirect_dma source(%dma_start3A_368 : memref<1000000x16xf32, #tpu.memory_space<hbm>>) target(%dma_start3A_362 : memref<128x16xf32, #tpu.memory_space<vmem>>) offsets(%dma_start3A_365 : memref<128xi32, #tpu.memory_space<vmem>>) semaphore(%arg11 : memref<!tpu.dma_semaphore, #tpu.memory_space<semaphore_mem>>)
      %dma_start3A_369 = arith.constant 0 : i32
      %dma_start3A_370 = arith.constant 1 : i32
      %dma_start3A_371 = arith.constant 0 : i32
      %dma_start3A_372 = arith.constant 128 : i32
      %dma_start3A_373 = arith.constant 0 : i32
      %dma_start3A_374 = tpu.memref_slice %arg9[%dma_start3A_371, %dma_start3A_372, %dma_start3A_373] : memref<2x512x16xf32, #tpu.memory_space<vmem>> -> memref<1x128x16xf32, #tpu.memory_space<vmem>>
      %dma_start3A_375 = tpu.memref_squeeze %dma_start3A_374 : memref<1x128x16xf32, #tpu.memory_space<vmem>> -> memref<128x16xf32, #tpu.memory_space<vmem>>
      %dma_start3A_376 = arith.constant 0 : i32
      %dma_start3A_377 = tpu.memref_slice %arg8[%dma_start3A_369, %dma_start3A_370, %dma_start3A_376] : memref<2x4x128xi32, #tpu.memory_space<vmem>> -> memref<1x1x128xi32, #tpu.memory_space<vmem>>
      %dma_start3A_378 = tpu.memref_squeeze %dma_start3A_377 : memref<1x1x128xi32, #tpu.memory_space<vmem>> -> memref<128xi32, #tpu.memory_space<vmem>>
      %dma_start3A_379 = arith.constant 0 : i32
      %dma_start3A_380 = arith.constant 0 : i32
      %dma_start3A_381 = tpu.memref_slice %arg4[%dma_start3A_379, %dma_start3A_380] : memref<1000000x16xf32, #tpu.memory_space<hbm>> -> memref<1000000x16xf32, #tpu.memory_space<hbm>>
      tpu.enqueue_indirect_dma source(%dma_start3A_381 : memref<1000000x16xf32, #tpu.memory_space<hbm>>) target(%dma_start3A_375 : memref<128x16xf32, #tpu.memory_space<vmem>>) offsets(%dma_start3A_378 : memref<128xi32, #tpu.memory_space<vmem>>) semaphore(%arg11 : memref<!tpu.dma_semaphore, #tpu.memory_space<semaphore_mem>>)
      %dma_start3A_382 = arith.constant 0 : i32
      %dma_start3A_383 = arith.constant 2 : i32
      %dma_start3A_384 = arith.constant 0 : i32
      %dma_start3A_385 = arith.constant 256 : i32
      %dma_start3A_386 = arith.constant 0 : i32
      %dma_start3A_387 = tpu.memref_slice %arg9[%dma_start3A_384, %dma_start3A_385, %dma_start3A_386] : memref<2x512x16xf32, #tpu.memory_space<vmem>> -> memref<1x128x16xf32, #tpu.memory_space<vmem>>
      %dma_start3A_388 = tpu.memref_squeeze %dma_start3A_387 : memref<1x128x16xf32, #tpu.memory_space<vmem>> -> memref<128x16xf32, #tpu.memory_space<vmem>>
      %dma_start3A_389 = arith.constant 0 : i32
      %dma_start3A_390 = tpu.memref_slice %arg8[%dma_start3A_382, %dma_start3A_383, %dma_start3A_389] : memref<2x4x128xi32, #tpu.memory_space<vmem>> -> memref<1x1x128xi32, #tpu.memory_space<vmem>>
      %dma_start3A_391 = tpu.memref_squeeze %dma_start3A_390 : memref<1x1x128xi32, #tpu.memory_space<vmem>> -> memref<128xi32, #tpu.memory_space<vmem>>
      %dma_start3A_392 = arith.constant 0 : i32
      %dma_start3A_393 = arith.constant 0 : i32
      %dma_start3A_394 = tpu.memref_slice %arg4[%dma_start3A_392, %dma_start3A_393] : memref<1000000x16xf32, #tpu.memory_space<hbm>> -> memref<1000000x16xf32, #tpu.memory_space<hbm>>
      tpu.enqueue_indirect_dma source(%dma_start3A_394 : memref<1000000x16xf32, #tpu.memory_space<hbm>>) target(%dma_start3A_388 : memref<128x16xf32, #tpu.memory_space<vmem>>) offsets(%dma_start3A_391 : memref<128xi32, #tpu.memory_space<vmem>>) semaphore(%arg11 : memref<!tpu.dma_semaphore, #tpu.memory_space<semaphore_mem>>)
      %dma_start3A_395 = arith.constant 0 : i32
      %dma_start3A_396 = arith.constant 3 : i32
      %dma_start3A_397 = arith.constant 0 : i32
      %dma_start3A_398 = arith.constant 384 : i32
      %dma_start3A_399 = arith.constant 0 : i32
      %dma_start3A_400 = tpu.memref_slice %arg9[%dma_start3A_397, %dma_start3A_398, %dma_start3A_399] : memref<2x512x16xf32, #tpu.memory_space<vmem>> -> memref<1x128x16xf32, #tpu.memory_space<vmem>>
      %dma_start3A_401 = tpu.memref_squeeze %dma_start3A_400 : memref<1x128x16xf32, #tpu.memory_space<vmem>> -> memref<128x16xf32, #tpu.memory_space<vmem>>
      %dma_start3A_402 = arith.constant 0 : i32
      %dma_start3A_403 = tpu.memref_slice %arg8[%dma_start3A_395, %dma_start3A_396, %dma_start3A_402] : memref<2x4x128xi32, #tpu.memory_space<vmem>> -> memref<1x1x128xi32, #tpu.memory_space<vmem>>
      %dma_start3A_404 = tpu.memref_squeeze %dma_start3A_403 : memref<1x1x128xi32, #tpu.memory_space<vmem>> -> memref<128xi32, #tpu.memory_space<vmem>>
      %dma_start3A_405 = arith.constant 0 : i32
      %dma_start3A_406 = arith.constant 0 : i32
      %dma_start3A_407 = tpu.memref_slice %arg4[%dma_start3A_405, %dma_start3A_406] : memref<1000000x16xf32, #tpu.memory_space<hbm>> -> memref<1000000x16xf32, #tpu.memory_space<hbm>>
      tpu.enqueue_indirect_dma source(%dma_start3A_407 : memref<1000000x16xf32, #tpu.memory_space<hbm>>) target(%dma_start3A_401 : memref<128x16xf32, #tpu.memory_space<vmem>>) offsets(%dma_start3A_404 : memref<128xi32, #tpu.memory_space<vmem>>) semaphore(%arg11 : memref<!tpu.dma_semaphore, #tpu.memory_space<semaphore_mem>>)
      %mul3A_408 = arith.constant 2 : i32
      %mul3A_409 = arith.muli %mul3A_408, %scan3A_298 : i32
      %add3A_410 = arith.constant 1 : i32
      %add3A_411 = arith.addi %mul3A_409, %add3A_410 : i32
      %dma_wait3A_412 = arith.constant 1 : i32
      %dma_wait3A_413 = arith.constant 0 : i32
      %dma_wait3A_414 = arith.constant 0 : i32
      %dma_wait3A_415 = tpu.memref_slice %arg9[%dma_wait3A_412, %dma_wait3A_413, %dma_wait3A_414] : memref<2x512x16xf32, #tpu.memory_space<vmem>> -> memref<1x512x16xf32, #tpu.memory_space<vmem>>
      %dma_wait3A_416 = tpu.memref_squeeze %dma_wait3A_415 : memref<1x512x16xf32, #tpu.memory_space<vmem>> -> memref<512x16xf32, #tpu.memory_space<vmem>>
      %dma_wait3A_417 = arith.constant 0 : i32
      %dma_wait3A_418 = arith.constant 0 : i32
      %dma_wait3A_419 = tpu.memref_slice %arg4[%dma_wait3A_417, %dma_wait3A_418] : memref<1000000x16xf32, #tpu.memory_space<hbm>> -> memref<512x16xf32, #tpu.memory_space<hbm>>
      %dma_wait3A_420 = arith.constant 0 : i32
      %dma_wait3A_421 = arith.constant 0 : i32
      %dma_wait3A_422 = tpu.memref_slice %arg9[%dma_wait3A_412, %dma_wait3A_420, %dma_wait3A_421] : memref<2x512x16xf32, #tpu.memory_space<vmem>> -> memref<1x512x16xf32, #tpu.memory_space<vmem>>
      %dma_wait3A_423 = tpu.memref_squeeze %dma_wait3A_422 : memref<1x512x16xf32, #tpu.memory_space<vmem>> -> memref<512x16xf32, #tpu.memory_space<vmem>>
      %dma_wait3A_424 = arith.constant 0 : i32
      %dma_wait3A_425 = arith.constant 0 : i32
      %dma_wait3A_426 = tpu.memref_slice %arg4[%dma_wait3A_424, %dma_wait3A_425] : memref<1000000x16xf32, #tpu.memory_space<hbm>> -> memref<512x16xf32, #tpu.memory_space<hbm>>
      tpu.wait_dma2 semaphore(%arg12 : memref<!tpu.dma_semaphore, #tpu.memory_space<semaphore_mem>>) src(%dma_wait3A_426 : memref<512x16xf32, #tpu.memory_space<hbm>>) dst(%dma_wait3A_423 : memref<512x16xf32, #tpu.memory_space<vmem>>)
      %gt3A_427 = arith.constant 0 : i32
      %gt3A_428 = arith.cmpi sgt, %scan3A_298, %gt3A_427 : i32
      %convert_element_type3A_429 = arith.extui %gt3A_428 : i1 to i32
      %cond3A_430 = arith.constant 0 : i32
      %cond3A_431 = arith.cmpi ne, %convert_element_type3A_429, %cond3A_430 : i32
      scf.if %cond3A_431 {
        %dma_wait3A_520 = arith.constant 1 : i32
        %dma_wait3A_521 = arith.constant 0 : i32
        %dma_wait3A_522 = arith.constant 0 : i32
        %dma_wait3A_523 = arith.constant 0 : i32
        %dma_wait3A_524 = arith.constant 0 : i32
        %dma_wait3A_525 = tpu.memref_slice %arg10[%dma_wait3A_520, %dma_wait3A_521, %dma_wait3A_522, %dma_wait3A_523, %dma_wait3A_524] : memref<2x1x1x16x513xf32, #tpu.memory_space<vmem>> -> memref<1x1x1x16x512xf32, #tpu.memory_space<vmem>>
        %dma_wait3A_526 = tpu.memref_squeeze %dma_wait3A_525 : memref<1x1x1x16x512xf32, #tpu.memory_space<vmem>> -> memref<1x1x16x512xf32, #tpu.memory_space<vmem>>
        %dma_wait3A_527 = arith.constant 0 : i32
        %dma_wait3A_528 = arith.constant 0 : i32
        %dma_wait3A_529 = arith.constant 0 : i32
        %dma_wait3A_530 = tpu.memref_slice %arg5[%dma_wait3A_527, %dma_wait3A_528, %dma_wait3A_529, %mul3A_2] : memref<1x50x16x16384xf32, #tpu.memory_space<hbm>> -> memref<1x1x16x512xf32, #tpu.memory_space<hbm>>
        %dma_wait3A_531 = arith.constant 0 : i32
        %dma_wait3A_532 = arith.constant 0 : i32
        %dma_wait3A_533 = arith.constant 0 : i32
        %dma_wait3A_534 = tpu.memref_slice %arg5[%dma_wait3A_531, %dma_wait3A_532, %dma_wait3A_533, %mul3A_2] : memref<1x50x16x16384xf32, #tpu.memory_space<hbm>> -> memref<1x1x16x512xf32, #tpu.memory_space<hbm>>
        %dma_wait3A_535 = arith.constant 0 : i32
        %dma_wait3A_536 = arith.constant 0 : i32
        %dma_wait3A_537 = arith.constant 0 : i32
        %dma_wait3A_538 = arith.constant 0 : i32
        %dma_wait3A_539 = tpu.memref_slice %arg10[%dma_wait3A_520, %dma_wait3A_535, %dma_wait3A_536, %dma_wait3A_537, %dma_wait3A_538] : memref<2x1x1x16x513xf32, #tpu.memory_space<vmem>> -> memref<1x1x1x16x512xf32, #tpu.memory_space<vmem>>
        %dma_wait3A_540 = tpu.memref_squeeze %dma_wait3A_539 : memref<1x1x1x16x512xf32, #tpu.memory_space<vmem>> -> memref<1x1x16x512xf32, #tpu.memory_space<vmem>>
        tpu.wait_dma2 semaphore(%arg14 : memref<!tpu.dma_semaphore, #tpu.memory_space<semaphore_mem>>) src(%dma_wait3A_540 : memref<1x1x16x512xf32, #tpu.memory_space<vmem>>) dst(%dma_wait3A_534 : memref<1x1x16x512xf32, #tpu.memory_space<hbm>>)
      } else {
      }
      %scan3A_432 = arith.constant 0 : i32
      %scan3A_433 = arith.constant 0 : i32
      %scan3A_434 = arith.constant 64 : i32
      %scan3A_435 = arith.addi %scan3A_433, %scan3A_434 : i32
      %scan3A_436 = arith.constant 1 : i32
      %scan3A_437 = scf.for %scan3A_520 = %scan3A_433 to %scan3A_435 step %scan3A_436 iter_args(%scan3A_521 = %scan3A_432) -> (i32)  : i32 {
        %mul3A_522 = arith.constant 8 : i32
        %mul3A_523 = arith.muli %scan3A_520, %mul3A_522 : i32
        %add3A_524 = arith.constant 0 : i32
        %add3A_525 = arith.addi %mul3A_523, %add3A_524 : i32
        %get3A = arith.constant 1 : i32
        %get3A_526 = arith.index_cast %get3A : i32 to index
        %get3A_527 = arith.index_cast %add3A_525 : i32 to index
        %get3A_528 = arith.constant 0 : index
        %get3A_529 = tpu.vector_load %arg9[%get3A_526, %get3A_527, %get3A_528] {strides = array<i32>} : memref<2x512x16xf32, #tpu.memory_space<vmem>>, vector<16xf32>,
        %add3A_530 = arith.constant 1 : i32
        %add3A_531 = vector.broadcast %add3A_530 : i32 to vector<16xi32>
        %add3A_532 = arith.addi %mul3A_5, %add3A_531 : vector<16xi32>
        %add3A_533 = vector.broadcast %add3A_525 : i32 to vector<16xi32>
        %add3A_534 = arith.addi %mul3A_5, %add3A_533 : vector<16xi32>
        tpu.vector_store_idx %arg10[%add3A_532, %mul3A_5, %mul3A_5, %iota3A, %add3A_534], %get3A_529 : memref<2x1x1x16x513xf32, #tpu.memory_space<vmem>>[vector<16xi32>, vector<16xi32>, vector<16xi32>, vector<16xi32>, vector<16xi32>], vector<16xf32>,
        %mul3A_535 = arith.constant 8 : i32
        %mul3A_536 = arith.muli %scan3A_520, %mul3A_535 : i32
        %add3A_537 = arith.constant 1 : i32
        %add3A_538 = arith.addi %mul3A_536, %add3A_537 : i32
        %get3A_539 = arith.constant 1 : i32
        %get3A_540 = arith.index_cast %get3A_539 : i32 to index
        %get3A_541 = arith.index_cast %add3A_538 : i32 to index
        %get3A_542 = arith.constant 0 : index
        %get3A_543 = tpu.vector_load %arg9[%get3A_540, %get3A_541, %get3A_542] {strides = array<i32>} : memref<2x512x16xf32, #tpu.memory_space<vmem>>, vector<16xf32>,
        %add3A_544 = arith.constant 1 : i32
        %add3A_545 = vector.broadcast %add3A_544 : i32 to vector<16xi32>
        %add3A_546 = arith.addi %mul3A_5, %add3A_545 : vector<16xi32>
        %add3A_547 = vector.broadcast %add3A_538 : i32 to vector<16xi32>
        %add3A_548 = arith.addi %mul3A_5, %add3A_547 : vector<16xi32>
        tpu.vector_store_idx %arg10[%add3A_546, %mul3A_5, %mul3A_5, %iota3A, %add3A_548], %get3A_543 : memref<2x1x1x16x513xf32, #tpu.memory_space<vmem>>[vector<16xi32>, vector<16xi32>, vector<16xi32>, vector<16xi32>, vector<16xi32>], vector<16xf32>,
        %mul3A_549 = arith.constant 8 : i32
        %mul3A_550 = arith.muli %scan3A_520, %mul3A_549 : i32
        %add3A_551 = arith.constant 2 : i32
        %add3A_552 = arith.addi %mul3A_550, %add3A_551 : i32
        %get3A_553 = arith.constant 1 : i32
        %get3A_554 = arith.index_cast %get3A_553 : i32 to index
        %get3A_555 = arith.index_cast %add3A_552 : i32 to index
        %get3A_556 = arith.constant 0 : index
        %get3A_557 = tpu.vector_load %arg9[%get3A_554, %get3A_555, %get3A_556] {strides = array<i32>} : memref<2x512x16xf32, #tpu.memory_space<vmem>>, vector<16xf32>,
        %add3A_558 = arith.constant 1 : i32
        %add3A_559 = vector.broadcast %add3A_558 : i32 to vector<16xi32>
        %add3A_560 = arith.addi %mul3A_5, %add3A_559 : vector<16xi32>
        %add3A_561 = vector.broadcast %add3A_552 : i32 to vector<16xi32>
        %add3A_562 = arith.addi %mul3A_5, %add3A_561 : vector<16xi32>
        tpu.vector_store_idx %arg10[%add3A_560, %mul3A_5, %mul3A_5, %iota3A, %add3A_562], %get3A_557 : memref<2x1x1x16x513xf32, #tpu.memory_space<vmem>>[vector<16xi32>, vector<16xi32>, vector<16xi32>, vector<16xi32>, vector<16xi32>], vector<16xf32>,
        %mul3A_563 = arith.constant 8 : i32
        %mul3A_564 = arith.muli %scan3A_520, %mul3A_563 : i32
        %add3A_565 = arith.constant 3 : i32
        %add3A_566 = arith.addi %mul3A_564, %add3A_565 : i32
        %get3A_567 = arith.constant 1 : i32
        %get3A_568 = arith.index_cast %get3A_567 : i32 to index
        %get3A_569 = arith.index_cast %add3A_566 : i32 to index
        %get3A_570 = arith.constant 0 : index
        %get3A_571 = tpu.vector_load %arg9[%get3A_568, %get3A_569, %get3A_570] {strides = array<i32>} : memref<2x512x16xf32, #tpu.memory_space<vmem>>, vector<16xf32>,
        %add3A_572 = arith.constant 1 : i32
        %add3A_573 = vector.broadcast %add3A_572 : i32 to vector<16xi32>
        %add3A_574 = arith.addi %mul3A_5, %add3A_573 : vector<16xi32>
        %add3A_575 = vector.broadcast %add3A_566 : i32 to vector<16xi32>
        %add3A_576 = arith.addi %mul3A_5, %add3A_575 : vector<16xi32>
        tpu.vector_store_idx %arg10[%add3A_574, %mul3A_5, %mul3A_5, %iota3A, %add3A_576], %get3A_571 : memref<2x1x1x16x513xf32, #tpu.memory_space<vmem>>[vector<16xi32>, vector<16xi32>, vector<16xi32>, vector<16xi32>, vector<16xi32>], vector<16xf32>,
        %mul3A_577 = arith.constant 8 : i32
        %mul3A_578 = arith.muli %scan3A_520, %mul3A_577 : i32
        %add3A_579 = arith.constant 4 : i32
        %add3A_580 = arith.addi %mul3A_578, %add3A_579 : i32
        %get3A_581 = arith.constant 1 : i32
        %get3A_582 = arith.index_cast %get3A_581 : i32 to index
        %get3A_583 = arith.index_cast %add3A_580 : i32 to index
        %get3A_584 = arith.constant 0 : index
        %get3A_585 = tpu.vector_load %arg9[%get3A_582, %get3A_583, %get3A_584] {strides = array<i32>} : memref<2x512x16xf32, #tpu.memory_space<vmem>>, vector<16xf32>,
        %add3A_586 = arith.constant 1 : i32
        %add3A_587 = vector.broadcast %add3A_586 : i32 to vector<16xi32>
        %add3A_588 = arith.addi %mul3A_5, %add3A_587 : vector<16xi32>
        %add3A_589 = vector.broadcast %add3A_580 : i32 to vector<16xi32>
        %add3A_590 = arith.addi %mul3A_5, %add3A_589 : vector<16xi32>
        tpu.vector_store_idx %arg10[%add3A_588, %mul3A_5, %mul3A_5, %iota3A, %add3A_590], %get3A_585 : memref<2x1x1x16x513xf32, #tpu.memory_space<vmem>>[vector<16xi32>, vector<16xi32>, vector<16xi32>, vector<16xi32>, vector<16xi32>], vector<16xf32>,
        %mul3A_591 = arith.constant 8 : i32
        %mul3A_592 = arith.muli %scan3A_520, %mul3A_591 : i32
        %add3A_593 = arith.constant 5 : i32
        %add3A_594 = arith.addi %mul3A_592, %add3A_593 : i32
        %get3A_595 = arith.constant 1 : i32
        %get3A_596 = arith.index_cast %get3A_595 : i32 to index
        %get3A_597 = arith.index_cast %add3A_594 : i32 to index
        %get3A_598 = arith.constant 0 : index
        %get3A_599 = tpu.vector_load %arg9[%get3A_596, %get3A_597, %get3A_598] {strides = array<i32>} : memref<2x512x16xf32, #tpu.memory_space<vmem>>, vector<16xf32>,
        %add3A_600 = arith.constant 1 : i32
        %add3A_601 = vector.broadcast %add3A_600 : i32 to vector<16xi32>
        %add3A_602 = arith.addi %mul3A_5, %add3A_601 : vector<16xi32>
        %add3A_603 = vector.broadcast %add3A_594 : i32 to vector<16xi32>
        %add3A_604 = arith.addi %mul3A_5, %add3A_603 : vector<16xi32>
        tpu.vector_store_idx %arg10[%add3A_602, %mul3A_5, %mul3A_5, %iota3A, %add3A_604], %get3A_599 : memref<2x1x1x16x513xf32, #tpu.memory_space<vmem>>[vector<16xi32>, vector<16xi32>, vector<16xi32>, vector<16xi32>, vector<16xi32>], vector<16xf32>,
        %mul3A_605 = arith.constant 8 : i32
        %mul3A_606 = arith.muli %scan3A_520, %mul3A_605 : i32
        %add3A_607 = arith.constant 6 : i32
        %add3A_608 = arith.addi %mul3A_606, %add3A_607 : i32
        %get3A_609 = arith.constant 1 : i32
        %get3A_610 = arith.index_cast %get3A_609 : i32 to index
        %get3A_611 = arith.index_cast %add3A_608 : i32 to index
        %get3A_612 = arith.constant 0 : index
        %get3A_613 = tpu.vector_load %arg9[%get3A_610, %get3A_611, %get3A_612] {strides = array<i32>} : memref<2x512x16xf32, #tpu.memory_space<vmem>>, vector<16xf32>,
        %add3A_614 = arith.constant 1 : i32
        %add3A_615 = vector.broadcast %add3A_614 : i32 to vector<16xi32>
        %add3A_616 = arith.addi %mul3A_5, %add3A_615 : vector<16xi32>
        %add3A_617 = vector.broadcast %add3A_608 : i32 to vector<16xi32>
        %add3A_618 = arith.addi %mul3A_5, %add3A_617 : vector<16xi32>
        tpu.vector_store_idx %arg10[%add3A_616, %mul3A_5, %mul3A_5, %iota3A, %add3A_618], %get3A_613 : memref<2x1x1x16x513xf32, #tpu.memory_space<vmem>>[vector<16xi32>, vector<16xi32>, vector<16xi32>, vector<16xi32>, vector<16xi32>], vector<16xf32>,
        %mul3A_619 = arith.constant 8 : i32
        %mul3A_620 = arith.muli %scan3A_520, %mul3A_619 : i32
        %add3A_621 = arith.constant 7 : i32
        %add3A_622 = arith.addi %mul3A_620, %add3A_621 : i32
        %get3A_623 = arith.constant 1 : i32
        %get3A_624 = arith.index_cast %get3A_623 : i32 to index
        %get3A_625 = arith.index_cast %add3A_622 : i32 to index
        %get3A_626 = arith.constant 0 : index
        %get3A_627 = tpu.vector_load %arg9[%get3A_624, %get3A_625, %get3A_626] {strides = array<i32>} : memref<2x512x16xf32, #tpu.memory_space<vmem>>, vector<16xf32>,
        %add3A_628 = arith.constant 1 : i32
        %add3A_629 = vector.broadcast %add3A_628 : i32 to vector<16xi32>
        %add3A_630 = arith.addi %mul3A_5, %add3A_629 : vector<16xi32>
        %add3A_631 = vector.broadcast %add3A_622 : i32 to vector<16xi32>
        %add3A_632 = arith.addi %mul3A_5, %add3A_631 : vector<16xi32>
        tpu.vector_store_idx %arg10[%add3A_630, %mul3A_5, %mul3A_5, %iota3A, %add3A_632], %get3A_627 : memref<2x1x1x16x513xf32, #tpu.memory_space<vmem>>[vector<16xi32>, vector<16xi32>, vector<16xi32>, vector<16xi32>, vector<16xi32>], vector<16xf32>,
        %scan3A_633 = arith.constant 0 : i32
        scf.yield %scan3A_633 : i32
      }
      %scan3A_438 = arith.constant 64 : i32
      %dma_start3A_439 = arith.constant 1 : i32
      %dma_start3A_440 = arith.constant 0 : i32
      %dma_start3A_441 = arith.constant 0 : i32
      %dma_start3A_442 = arith.constant 0 : i32
      %dma_start3A_443 = arith.constant 0 : i32
      %dma_start3A_444 = tpu.memref_slice %arg10[%dma_start3A_439, %dma_start3A_440, %dma_start3A_441, %dma_start3A_442, %dma_start3A_443] : memref<2x1x1x16x513xf32, #tpu.memory_space<vmem>> -> memref<1x1x1x16x512xf32, #tpu.memory_space<vmem>>
      %dma_start3A_445 = tpu.memref_squeeze %dma_start3A_444 : memref<1x1x1x16x512xf32, #tpu.memory_space<vmem>> -> memref<1x1x16x512xf32, #tpu.memory_space<vmem>>
      %dma_start3A_446 = arith.constant 0 : i32
      %dma_start3A_447 = arith.constant 0 : i32
      %dma_start3A_448 = tpu.memref_slice %arg5[%dma_start3A_446, %add3A_411, %dma_start3A_447, %mul3A_2] : memref<1x50x16x16384xf32, #tpu.memory_space<hbm>> -> memref<1x1x16x512xf32, #tpu.memory_space<hbm>>
      %dma_start3A_449 = arith.constant 0 : i32
      %dma_start3A_450 = arith.constant 0 : i32
      %dma_start3A_451 = tpu.memref_slice %arg5[%dma_start3A_449, %add3A_411, %dma_start3A_450, %mul3A_2] : memref<1x50x16x16384xf32, #tpu.memory_space<hbm>> -> memref<1x1x16x512xf32, #tpu.memory_space<hbm>>
      %dma_start3A_452 = arith.constant 0 : i32
      %dma_start3A_453 = arith.constant 0 : i32
      %dma_start3A_454 = arith.constant 0 : i32
      %dma_start3A_455 = arith.constant 0 : i32
      %dma_start3A_456 = tpu.memref_slice %arg10[%dma_start3A_439, %dma_start3A_452, %dma_start3A_453, %dma_start3A_454, %dma_start3A_455] : memref<2x1x1x16x513xf32, #tpu.memory_space<vmem>> -> memref<1x1x1x16x512xf32, #tpu.memory_space<vmem>>
      %dma_start3A_457 = tpu.memref_squeeze %dma_start3A_456 : memref<1x1x1x16x512xf32, #tpu.memory_space<vmem>> -> memref<1x1x16x512xf32, #tpu.memory_space<vmem>>
      tpu.enqueue_dma source(%dma_start3A_457 : memref<1x1x16x512xf32, #tpu.memory_space<vmem>>) target(%dma_start3A_451 : memref<1x1x16x512xf32, #tpu.memory_space<hbm>>) target_semaphore(%arg14 : memref<!tpu.dma_semaphore, #tpu.memory_space<semaphore_mem>>)
      %add3A_458 = arith.constant 2 : i32
      %add3A_459 = arith.addi %add3A_411, %add3A_458 : i32
      %scan3A_460 = arith.constant 0 : i32
      %scan3A_461 = arith.constant 0 : i32
      %scan3A_462 = arith.constant 32 : i32
      %scan3A_463 = arith.addi %scan3A_461, %scan3A_462 : i32
      %scan3A_464 = arith.constant 1 : i32
      %scan3A_465 = scf.for %scan3A_520 = %scan3A_461 to %scan3A_463 step %scan3A_464 iter_args(%scan3A_521 = %scan3A_460) -> (i32)  : i32 {
        %mul3A_522 = arith.constant 16 : i32
        %mul3A_523 = arith.muli %scan3A_520, %mul3A_522 : i32
        %get3A = arith.constant 0 : i32
        %get3A_524 = arith.index_cast %get3A : i32 to index
        %get3A_525 = arith.index_cast %add3A_459 : i32 to index
        %get3A_526 = arith.index_cast %mul3A_523 : i32 to index
        %get3A_527 = tpu.vector_load %arg7[%get3A_524, %get3A_525, %get3A_526] {strides = array<i32>} : memref<1x50x512xi32, #tpu.memory_space<vmem>>, vector<16xi32>,
        %mul3A_528 = arith.constant 16 : i32
        %mul3A_529 = arith.muli %scan3A_520, %mul3A_528 : i32
        %get3A_530 = arith.constant 0 : i32
        %get3A_531 = arith.index_cast %get3A_530 : i32 to index
        %get3A_532 = arith.index_cast %mul3A_529 : i32 to index
        %get3A_533 = tpu.vector_load %arg6[%get3A_531, %get3A_532] {strides = array<i32>} : memref<1x512xi32, #tpu.memory_space<vmem>>, vector<16xi32>,
        %mul3A_534 = arith.constant 250000 : i32
        %mul3A_535 = vector.broadcast %mul3A_534 : i32 to vector<16xi32>
        %mul3A_536 = arith.muli %get3A_533, %mul3A_535 : vector<16xi32>
        %add3A_537 = arith.addi %get3A_527, %mul3A_536 : vector<16xi32>
        %jit3A = arith.constant 8 : i32
        %div3A = arith.divsi %scan3A_520, %jit3A : i32
        %sign3A = arith.constant 0 : i32
        %sign3A_538 = arith.cmpi sgt, %scan3A_520, %sign3A : i32
        %sign3A_539 = arith.extui %sign3A_538 : i1 to i32
        %sign3A_540 = arith.constant 0 : i32
        %sign3A_541 = arith.cmpi slt, %scan3A_520, %sign3A_540 : i32
        %sign3A_542 = arith.extui %sign3A_541 : i1 to i32
        %sign3A_543 = arith.subi %sign3A_539, %sign3A_542 : i32
        %sign3A_544 = arith.constant 0 : i32
        %sign3A_545 = arith.cmpi sgt, %jit3A, %sign3A_544 : i32
        %sign3A_546 = arith.extui %sign3A_545 : i1 to i32
        %sign3A_547 = arith.constant 0 : i32
        %sign3A_548 = arith.cmpi slt, %jit3A, %sign3A_547 : i32
        %sign3A_549 = arith.extui %sign3A_548 : i1 to i32
        %sign3A_550 = arith.subi %sign3A_546, %sign3A_549 : i32
        %ne3A = arith.cmpi ne, %sign3A_543, %sign3A_550 : i32
        %rem3A = arith.remsi %scan3A_520, %jit3A : i32
        %ne3A_551 = arith.constant 0 : i32
        %ne3A_552 = arith.cmpi ne, %rem3A, %ne3A_551 : i32
        %and3A = arith.andi %ne3A, %ne3A_552 : i1
        %sub3A = arith.constant 1 : i32
        %sub3A_553 = arith.subi %div3A, %sub3A : i32
        %select_n3A = arith.select %and3A, %sub3A_553, %div3A : i32
        %jit3A_554 = arith.constant 8 : i32
        %eq3A = arith.constant 0 : i32
        %eq3A_555 = arith.cmpi eq, %jit3A_554, %eq3A : i32
        %jit3A_556 = arith.constant 1 : i32
        %select_n3A_557 = arith.select %eq3A_555, %jit3A_556, %jit3A_554 : i32
        %rem3A_558 = arith.remsi %scan3A_520, %select_n3A_557 : i32
        %ne3A_559 = arith.constant 0 : i32
        %ne3A_560 = arith.cmpi ne, %rem3A_558, %ne3A_559 : i32
        %lt3A = arith.constant 0 : i32
        %lt3A_561 = arith.cmpi slt, %rem3A_558, %lt3A : i32
        %lt3A_562 = arith.constant 0 : i32
        %lt3A_563 = arith.cmpi slt, %select_n3A_557, %lt3A_562 : i32
        %ne3A_564 = arith.xori %lt3A_561, %lt3A_563 : i1
        %and3A_565 = arith.andi %ne3A_564, %ne3A_560 : i1
        %add3A_566 = arith.addi %rem3A_558, %select_n3A_557 : i32
        %select_n3A_567 = arith.select %and3A_565, %add3A_566, %rem3A_558 : i32
        %mul3A_568 = arith.constant 16 : i32
        %mul3A_569 = arith.muli %select_n3A_567, %mul3A_568 : i32
        %swap3A = arith.constant 1 : i32
        %swap3A_570 = arith.index_cast %swap3A : i32 to index
        %swap3A_571 = arith.index_cast %select_n3A : i32 to index
        %swap3A_572 = arith.index_cast %mul3A_569 : i32 to index
        %swap3A_573 = tpu.vector_load %arg8[%swap3A_570, %swap3A_571, %swap3A_572] {strides = array<i32>} : memref<2x4x128xi32, #tpu.memory_space<vmem>>, vector<16xi32>,
        tpu.vector_store %arg8[%swap3A_570, %swap3A_571, %swap3A_572], %add3A_537 {strides = array<i32>} : memref<2x4x128xi32, #tpu.memory_space<vmem>>, vector<16xi32>,
        %scan3A_574 = arith.constant 0 : i32
        scf.yield %scan3A_574 : i32
      }
      %scan3A_466 = arith.constant 32 : i32
      %dma_start3A_467 = arith.constant 1 : i32
      %dma_start3A_468 = arith.constant 0 : i32
      %dma_start3A_469 = arith.constant 1 : i32
      %dma_start3A_470 = arith.constant 0 : i32
      %dma_start3A_471 = arith.constant 0 : i32
      %dma_start3A_472 = tpu.memref_slice %arg9[%dma_start3A_469, %dma_start3A_470, %dma_start3A_471] : memref<2x512x16xf32, #tpu.memory_space<vmem>> -> memref<1x128x16xf32, #tpu.memory_space<vmem>>
      %dma_start3A_473 = tpu.memref_squeeze %dma_start3A_472 : memref<1x128x16xf32, #tpu.memory_space<vmem>> -> memref<128x16xf32, #tpu.memory_space<vmem>>
      %dma_start3A_474 = arith.constant 0 : i32
      %dma_start3A_475 = tpu.memref_slice %arg8[%dma_start3A_467, %dma_start3A_468, %dma_start3A_474] : memref<2x4x128xi32, #tpu.memory_space<vmem>> -> memref<1x1x128xi32, #tpu.memory_space<vmem>>
      %dma_start3A_476 = tpu.memref_squeeze %dma_start3A_475 : memref<1x1x128xi32, #tpu.memory_space<vmem>> -> memref<128xi32, #tpu.memory_space<vmem>>
      %dma_start3A_477 = arith.constant 0 : i32
      %dma_start3A_478 = arith.constant 0 : i32
      %dma_start3A_479 = tpu.memref_slice %arg4[%dma_start3A_477, %dma_start3A_478] : memref<1000000x16xf32, #tpu.memory_space<hbm>> -> memref<1000000x16xf32, #tpu.memory_space<hbm>>
      tpu.enqueue_indirect_dma source(%dma_start3A_479 : memref<1000000x16xf32, #tpu.memory_space<hbm>>) target(%dma_start3A_473 : memref<128x16xf32, #tpu.memory_space<vmem>>) offsets(%dma_start3A_476 : memref<128xi32, #tpu.memory_space<vmem>>) semaphore(%arg12 : memref<!tpu.dma_semaphore, #tpu.memory_space<semaphore_mem>>)
      %dma_start3A_480 = arith.constant 1 : i32
      %dma_start3A_481 = arith.constant 1 : i32
      %dma_start3A_482 = arith.constant 1 : i32
      %dma_start3A_483 = arith.constant 128 : i32
      %dma_start3A_484 = arith.constant 0 : i32
      %dma_start3A_485 = tpu.memref_slice %arg9[%dma_start3A_482, %dma_start3A_483, %dma_start3A_484] : memref<2x512x16xf32, #tpu.memory_space<vmem>> -> memref<1x128x16xf32, #tpu.memory_space<vmem>>
      %dma_start3A_486 = tpu.memref_squeeze %dma_start3A_485 : memref<1x128x16xf32, #tpu.memory_space<vmem>> -> memref<128x16xf32, #tpu.memory_space<vmem>>
      %dma_start3A_487 = arith.constant 0 : i32
      %dma_start3A_488 = tpu.memref_slice %arg8[%dma_start3A_480, %dma_start3A_481, %dma_start3A_487] : memref<2x4x128xi32, #tpu.memory_space<vmem>> -> memref<1x1x128xi32, #tpu.memory_space<vmem>>
      %dma_start3A_489 = tpu.memref_squeeze %dma_start3A_488 : memref<1x1x128xi32, #tpu.memory_space<vmem>> -> memref<128xi32, #tpu.memory_space<vmem>>
      %dma_start3A_490 = arith.constant 0 : i32
      %dma_start3A_491 = arith.constant 0 : i32
      %dma_start3A_492 = tpu.memref_slice %arg4[%dma_start3A_490, %dma_start3A_491] : memref<1000000x16xf32, #tpu.memory_space<hbm>> -> memref<1000000x16xf32, #tpu.memory_space<hbm>>
      tpu.enqueue_indirect_dma source(%dma_start3A_492 : memref<1000000x16xf32, #tpu.memory_space<hbm>>) target(%dma_start3A_486 : memref<128x16xf32, #tpu.memory_space<vmem>>) offsets(%dma_start3A_489 : memref<128xi32, #tpu.memory_space<vmem>>) semaphore(%arg12 : memref<!tpu.dma_semaphore, #tpu.memory_space<semaphore_mem>>)
      %dma_start3A_493 = arith.constant 1 : i32
      %dma_start3A_494 = arith.constant 2 : i32
      %dma_start3A_495 = arith.constant 1 : i32
      %dma_start3A_496 = arith.constant 256 : i32
      %dma_start3A_497 = arith.constant 0 : i32
      %dma_start3A_498 = tpu.memref_slice %arg9[%dma_start3A_495, %dma_start3A_496, %dma_start3A_497] : memref<2x512x16xf32, #tpu.memory_space<vmem>> -> memref<1x128x16xf32, #tpu.memory_space<vmem>>
      %dma_start3A_499 = tpu.memref_squeeze %dma_start3A_498 : memref<1x128x16xf32, #tpu.memory_space<vmem>> -> memref<128x16xf32, #tpu.memory_space<vmem>>
      %dma_start3A_500 = arith.constant 0 : i32
      %dma_start3A_501 = tpu.memref_slice %arg8[%dma_start3A_493, %dma_start3A_494, %dma_start3A_500] : memref<2x4x128xi32, #tpu.memory_space<vmem>> -> memref<1x1x128xi32, #tpu.memory_space<vmem>>
      %dma_start3A_502 = tpu.memref_squeeze %dma_start3A_501 : memref<1x1x128xi32, #tpu.memory_space<vmem>> -> memref<128xi32, #tpu.memory_space<vmem>>
      %dma_start3A_503 = arith.constant 0 : i32
      %dma_start3A_504 = arith.constant 0 : i32
      %dma_start3A_505 = tpu.memref_slice %arg4[%dma_start3A_503, %dma_start3A_504] : memref<1000000x16xf32, #tpu.memory_space<hbm>> -> memref<1000000x16xf32, #tpu.memory_space<hbm>>
      tpu.enqueue_indirect_dma source(%dma_start3A_505 : memref<1000000x16xf32, #tpu.memory_space<hbm>>) target(%dma_start3A_499 : memref<128x16xf32, #tpu.memory_space<vmem>>) offsets(%dma_start3A_502 : memref<128xi32, #tpu.memory_space<vmem>>) semaphore(%arg12 : memref<!tpu.dma_semaphore, #tpu.memory_space<semaphore_mem>>)
      %dma_start3A_506 = arith.constant 1 : i32
      %dma_start3A_507 = arith.constant 3 : i32
      %dma_start3A_508 = arith.constant 1 : i32
      %dma_start3A_509 = arith.constant 384 : i32
      %dma_start3A_510 = arith.constant 0 : i32
      %dma_start3A_511 = tpu.memref_slice %arg9[%dma_start3A_508, %dma_start3A_509, %dma_start3A_510] : memref<2x512x16xf32, #tpu.memory_space<vmem>> -> memref<1x128x16xf32, #tpu.memory_space<vmem>>
      %dma_start3A_512 = tpu.memref_squeeze %dma_start3A_511 : memref<1x128x16xf32, #tpu.memory_space<vmem>> -> memref<128x16xf32, #tpu.memory_space<vmem>>
      %dma_start3A_513 = arith.constant 0 : i32
      %dma_start3A_514 = tpu.memref_slice %arg8[%dma_start3A_506, %dma_start3A_507, %dma_start3A_513] : memref<2x4x128xi32, #tpu.memory_space<vmem>> -> memref<1x1x128xi32, #tpu.memory_space<vmem>>
      %dma_start3A_515 = tpu.memref_squeeze %dma_start3A_514 : memref<1x1x128xi32, #tpu.memory_space<vmem>> -> memref<128xi32, #tpu.memory_space<vmem>>
      %dma_start3A_516 = arith.constant 0 : i32
      %dma_start3A_517 = arith.constant 0 : i32
      %dma_start3A_518 = tpu.memref_slice %arg4[%dma_start3A_516, %dma_start3A_517] : memref<1000000x16xf32, #tpu.memory_space<hbm>> -> memref<1000000x16xf32, #tpu.memory_space<hbm>>
      tpu.enqueue_indirect_dma source(%dma_start3A_518 : memref<1000000x16xf32, #tpu.memory_space<hbm>>) target(%dma_start3A_512 : memref<128x16xf32, #tpu.memory_space<vmem>>) offsets(%dma_start3A_515 : memref<128xi32, #tpu.memory_space<vmem>>) semaphore(%arg12 : memref<!tpu.dma_semaphore, #tpu.memory_space<semaphore_mem>>)
      %scan3A_519 = arith.constant 0 : i32
      scf.yield %scan3A_519 : i32
    }
    %scan3A_128 = arith.constant 24 : i32
    %dma_wait3A = arith.constant 0 : i32
    %dma_wait3A_129 = arith.constant 0 : i32
    %dma_wait3A_130 = arith.constant 0 : i32
    %dma_wait3A_131 = tpu.memref_slice %arg9[%dma_wait3A, %dma_wait3A_129, %dma_wait3A_130] : memref<2x512x16xf32, #tpu.memory_space<vmem>> -> memref<1x512x16xf32, #tpu.memory_space<vmem>>
    %dma_wait3A_132 = tpu.memref_squeeze %dma_wait3A_131 : memref<1x512x16xf32, #tpu.memory_space<vmem>> -> memref<512x16xf32, #tpu.memory_space<vmem>>
    %dma_wait3A_133 = arith.constant 0 : i32
    %dma_wait3A_134 = arith.constant 0 : i32
    %dma_wait3A_135 = tpu.memref_slice %arg4[%dma_wait3A_133, %dma_wait3A_134] : memref<1000000x16xf32, #tpu.memory_space<hbm>> -> memref<512x16xf32, #tpu.memory_space<hbm>>
    %dma_wait3A_136 = arith.constant 0 : i32
    %dma_wait3A_137 = arith.constant 0 : i32
    %dma_wait3A_138 = tpu.memref_slice %arg9[%dma_wait3A, %dma_wait3A_136, %dma_wait3A_137] : memref<2x512x16xf32, #tpu.memory_space<vmem>> -> memref<1x512x16xf32, #tpu.memory_space<vmem>>
    %dma_wait3A_139 = tpu.memref_squeeze %dma_wait3A_138 : memref<1x512x16xf32, #tpu.memory_space<vmem>> -> memref<512x16xf32, #tpu.memory_space<vmem>>
    %dma_wait3A_140 = arith.constant 0 : i32
    %dma_wait3A_141 = arith.constant 0 : i32
    %dma_wait3A_142 = tpu.memref_slice %arg4[%dma_wait3A_140, %dma_wait3A_141] : memref<1000000x16xf32, #tpu.memory_space<hbm>> -> memref<512x16xf32, #tpu.memory_space<hbm>>
    tpu.wait_dma2 semaphore(%arg11 : memref<!tpu.dma_semaphore, #tpu.memory_space<semaphore_mem>>) src(%dma_wait3A_142 : memref<512x16xf32, #tpu.memory_space<hbm>>) dst(%dma_wait3A_139 : memref<512x16xf32, #tpu.memory_space<vmem>>)
    %dma_wait3A_143 = arith.constant 0 : i32
    %dma_wait3A_144 = arith.constant 0 : i32
    %dma_wait3A_145 = arith.constant 0 : i32
    %dma_wait3A_146 = arith.constant 0 : i32
    %dma_wait3A_147 = arith.constant 0 : i32
    %dma_wait3A_148 = tpu.memref_slice %arg10[%dma_wait3A_143, %dma_wait3A_144, %dma_wait3A_145, %dma_wait3A_146, %dma_wait3A_147] : memref<2x1x1x16x513xf32, #tpu.memory_space<vmem>> -> memref<1x1x1x16x512xf32, #tpu.memory_space<vmem>>
    %dma_wait3A_149 = tpu.memref_squeeze %dma_wait3A_148 : memref<1x1x1x16x512xf32, #tpu.memory_space<vmem>> -> memref<1x1x16x512xf32, #tpu.memory_space<vmem>>
    %dma_wait3A_150 = arith.constant 0 : i32
    %dma_wait3A_151 = arith.constant 0 : i32
    %dma_wait3A_152 = arith.constant 0 : i32
    %dma_wait3A_153 = tpu.memref_slice %arg5[%dma_wait3A_150, %dma_wait3A_151, %dma_wait3A_152, %mul3A_2] : memref<1x50x16x16384xf32, #tpu.memory_space<hbm>> -> memref<1x1x16x512xf32, #tpu.memory_space<hbm>>
    %dma_wait3A_154 = arith.constant 0 : i32
    %dma_wait3A_155 = arith.constant 0 : i32
    %dma_wait3A_156 = arith.constant 0 : i32
    %dma_wait3A_157 = tpu.memref_slice %arg5[%dma_wait3A_154, %dma_wait3A_155, %dma_wait3A_156, %mul3A_2] : memref<1x50x16x16384xf32, #tpu.memory_space<hbm>> -> memref<1x1x16x512xf32, #tpu.memory_space<hbm>>
    %dma_wait3A_158 = arith.constant 0 : i32
    %dma_wait3A_159 = arith.constant 0 : i32
    %dma_wait3A_160 = arith.constant 0 : i32
    %dma_wait3A_161 = arith.constant 0 : i32
    %dma_wait3A_162 = tpu.memref_slice %arg10[%dma_wait3A_143, %dma_wait3A_158, %dma_wait3A_159, %dma_wait3A_160, %dma_wait3A_161] : memref<2x1x1x16x513xf32, #tpu.memory_space<vmem>> -> memref<1x1x1x16x512xf32, #tpu.memory_space<vmem>>
    %dma_wait3A_163 = tpu.memref_squeeze %dma_wait3A_162 : memref<1x1x1x16x512xf32, #tpu.memory_space<vmem>> -> memref<1x1x16x512xf32, #tpu.memory_space<vmem>>
    tpu.wait_dma2 semaphore(%arg13 : memref<!tpu.dma_semaphore, #tpu.memory_space<semaphore_mem>>) src(%dma_wait3A_163 : memref<1x1x16x512xf32, #tpu.memory_space<vmem>>) dst(%dma_wait3A_157 : memref<1x1x16x512xf32, #tpu.memory_space<hbm>>)
    %scan3A_164 = arith.constant 0 : i32
    %scan3A_165 = arith.constant 0 : i32
    %scan3A_166 = arith.constant 64 : i32
    %scan3A_167 = arith.addi %scan3A_165, %scan3A_166 : i32
    %scan3A_168 = arith.constant 1 : i32
    %scan3A_169 = scf.for %scan3A_298 = %scan3A_165 to %scan3A_167 step %scan3A_168 iter_args(%scan3A_299 = %scan3A_164) -> (i32)  : i32 {
      %mul3A_300 = arith.constant 8 : i32
      %mul3A_301 = arith.muli %scan3A_298, %mul3A_300 : i32
      %add3A_302 = arith.constant 0 : i32
      %add3A_303 = arith.addi %mul3A_301, %add3A_302 : i32
      %get3A = arith.constant 0 : i32
      %get3A_304 = arith.index_cast %get3A : i32 to index
      %get3A_305 = arith.index_cast %add3A_303 : i32 to index
      %get3A_306 = arith.constant 0 : index
      %get3A_307 = tpu.vector_load %arg9[%get3A_304, %get3A_305, %get3A_306] {strides = array<i32>} : memref<2x512x16xf32, #tpu.memory_space<vmem>>, vector<16xf32>,
      %add3A_308 = arith.constant 0 : i32
      %add3A_309 = vector.broadcast %add3A_308 : i32 to vector<16xi32>
      %add3A_310 = arith.addi %mul3A_5, %add3A_309 : vector<16xi32>
      %add3A_311 = vector.broadcast %add3A_303 : i32 to vector<16xi32>
      %add3A_312 = arith.addi %mul3A_5, %add3A_311 : vector<16xi32>
      tpu.vector_store_idx %arg10[%add3A_310, %mul3A_5, %mul3A_5, %iota3A, %add3A_312], %get3A_307 : memref<2x1x1x16x513xf32, #tpu.memory_space<vmem>>[vector<16xi32>, vector<16xi32>, vector<16xi32>, vector<16xi32>, vector<16xi32>], vector<16xf32>,
      %mul3A_313 = arith.constant 8 : i32
      %mul3A_314 = arith.muli %scan3A_298, %mul3A_313 : i32
      %add3A_315 = arith.constant 1 : i32
      %add3A_316 = arith.addi %mul3A_314, %add3A_315 : i32
      %get3A_317 = arith.constant 0 : i32
      %get3A_318 = arith.index_cast %get3A_317 : i32 to index
      %get3A_319 = arith.index_cast %add3A_316 : i32 to index
      %get3A_320 = arith.constant 0 : index
      %get3A_321 = tpu.vector_load %arg9[%get3A_318, %get3A_319, %get3A_320] {strides = array<i32>} : memref<2x512x16xf32, #tpu.memory_space<vmem>>, vector<16xf32>,
      %add3A_322 = arith.constant 0 : i32
      %add3A_323 = vector.broadcast %add3A_322 : i32 to vector<16xi32>
      %add3A_324 = arith.addi %mul3A_5, %add3A_323 : vector<16xi32>
      %add3A_325 = vector.broadcast %add3A_316 : i32 to vector<16xi32>
      %add3A_326 = arith.addi %mul3A_5, %add3A_325 : vector<16xi32>
      tpu.vector_store_idx %arg10[%add3A_324, %mul3A_5, %mul3A_5, %iota3A, %add3A_326], %get3A_321 : memref<2x1x1x16x513xf32, #tpu.memory_space<vmem>>[vector<16xi32>, vector<16xi32>, vector<16xi32>, vector<16xi32>, vector<16xi32>], vector<16xf32>,
      %mul3A_327 = arith.constant 8 : i32
      %mul3A_328 = arith.muli %scan3A_298, %mul3A_327 : i32
      %add3A_329 = arith.constant 2 : i32
      %add3A_330 = arith.addi %mul3A_328, %add3A_329 : i32
      %get3A_331 = arith.constant 0 : i32
      %get3A_332 = arith.index_cast %get3A_331 : i32 to index
      %get3A_333 = arith.index_cast %add3A_330 : i32 to index
      %get3A_334 = arith.constant 0 : index
      %get3A_335 = tpu.vector_load %arg9[%get3A_332, %get3A_333, %get3A_334] {strides = array<i32>} : memref<2x512x16xf32, #tpu.memory_space<vmem>>, vector<16xf32>,
      %add3A_336 = arith.constant 0 : i32
      %add3A_337 = vector.broadcast %add3A_336 : i32 to vector<16xi32>
      %add3A_338 = arith.addi %mul3A_5, %add3A_337 : vector<16xi32>
      %add3A_339 = vector.broadcast %add3A_330 : i32 to vector<16xi32>
      %add3A_340 = arith.addi %mul3A_5, %add3A_339 : vector<16xi32>
      tpu.vector_store_idx %arg10[%add3A_338, %mul3A_5, %mul3A_5, %iota3A, %add3A_340], %get3A_335 : memref<2x1x1x16x513xf32, #tpu.memory_space<vmem>>[vector<16xi32>, vector<16xi32>, vector<16xi32>, vector<16xi32>, vector<16xi32>], vector<16xf32>,
      %mul3A_341 = arith.constant 8 : i32
      %mul3A_342 = arith.muli %scan3A_298, %mul3A_341 : i32
      %add3A_343 = arith.constant 3 : i32
      %add3A_344 = arith.addi %mul3A_342, %add3A_343 : i32
      %get3A_345 = arith.constant 0 : i32
      %get3A_346 = arith.index_cast %get3A_345 : i32 to index
      %get3A_347 = arith.index_cast %add3A_344 : i32 to index
      %get3A_348 = arith.constant 0 : index
      %get3A_349 = tpu.vector_load %arg9[%get3A_346, %get3A_347, %get3A_348] {strides = array<i32>} : memref<2x512x16xf32, #tpu.memory_space<vmem>>, vector<16xf32>,
      %add3A_350 = arith.constant 0 : i32
      %add3A_351 = vector.broadcast %add3A_350 : i32 to vector<16xi32>
      %add3A_352 = arith.addi %mul3A_5, %add3A_351 : vector<16xi32>
      %add3A_353 = vector.broadcast %add3A_344 : i32 to vector<16xi32>
      %add3A_354 = arith.addi %mul3A_5, %add3A_353 : vector<16xi32>
      tpu.vector_store_idx %arg10[%add3A_352, %mul3A_5, %mul3A_5, %iota3A, %add3A_354], %get3A_349 : memref<2x1x1x16x513xf32, #tpu.memory_space<vmem>>[vector<16xi32>, vector<16xi32>, vector<16xi32>, vector<16xi32>, vector<16xi32>], vector<16xf32>,
      %mul3A_355 = arith.constant 8 : i32
      %mul3A_356 = arith.muli %scan3A_298, %mul3A_355 : i32
      %add3A_357 = arith.constant 4 : i32
      %add3A_358 = arith.addi %mul3A_356, %add3A_357 : i32
      %get3A_359 = arith.constant 0 : i32
      %get3A_360 = arith.index_cast %get3A_359 : i32 to index
      %get3A_361 = arith.index_cast %add3A_358 : i32 to index
      %get3A_362 = arith.constant 0 : index
      %get3A_363 = tpu.vector_load %arg9[%get3A_360, %get3A_361, %get3A_362] {strides = array<i32>} : memref<2x512x16xf32, #tpu.memory_space<vmem>>, vector<16xf32>,
      %add3A_364 = arith.constant 0 : i32
      %add3A_365 = vector.broadcast %add3A_364 : i32 to vector<16xi32>
      %add3A_366 = arith.addi %mul3A_5, %add3A_365 : vector<16xi32>
      %add3A_367 = vector.broadcast %add3A_358 : i32 to vector<16xi32>
      %add3A_368 = arith.addi %mul3A_5, %add3A_367 : vector<16xi32>
      tpu.vector_store_idx %arg10[%add3A_366, %mul3A_5, %mul3A_5, %iota3A, %add3A_368], %get3A_363 : memref<2x1x1x16x513xf32, #tpu.memory_space<vmem>>[vector<16xi32>, vector<16xi32>, vector<16xi32>, vector<16xi32>, vector<16xi32>], vector<16xf32>,
      %mul3A_369 = arith.constant 8 : i32
      %mul3A_370 = arith.muli %scan3A_298, %mul3A_369 : i32
      %add3A_371 = arith.constant 5 : i32
      %add3A_372 = arith.addi %mul3A_370, %add3A_371 : i32
      %get3A_373 = arith.constant 0 : i32
      %get3A_374 = arith.index_cast %get3A_373 : i32 to index
      %get3A_375 = arith.index_cast %add3A_372 : i32 to index
      %get3A_376 = arith.constant 0 : index
      %get3A_377 = tpu.vector_load %arg9[%get3A_374, %get3A_375, %get3A_376] {strides = array<i32>} : memref<2x512x16xf32, #tpu.memory_space<vmem>>, vector<16xf32>,
      %add3A_378 = arith.constant 0 : i32
      %add3A_379 = vector.broadcast %add3A_378 : i32 to vector<16xi32>
      %add3A_380 = arith.addi %mul3A_5, %add3A_379 : vector<16xi32>
      %add3A_381 = vector.broadcast %add3A_372 : i32 to vector<16xi32>
      %add3A_382 = arith.addi %mul3A_5, %add3A_381 : vector<16xi32>
      tpu.vector_store_idx %arg10[%add3A_380, %mul3A_5, %mul3A_5, %iota3A, %add3A_382], %get3A_377 : memref<2x1x1x16x513xf32, #tpu.memory_space<vmem>>[vector<16xi32>, vector<16xi32>, vector<16xi32>, vector<16xi32>, vector<16xi32>], vector<16xf32>,
      %mul3A_383 = arith.constant 8 : i32
      %mul3A_384 = arith.muli %scan3A_298, %mul3A_383 : i32
      %add3A_385 = arith.constant 6 : i32
      %add3A_386 = arith.addi %mul3A_384, %add3A_385 : i32
      %get3A_387 = arith.constant 0 : i32
      %get3A_388 = arith.index_cast %get3A_387 : i32 to index
      %get3A_389 = arith.index_cast %add3A_386 : i32 to index
      %get3A_390 = arith.constant 0 : index
      %get3A_391 = tpu.vector_load %arg9[%get3A_388, %get3A_389, %get3A_390] {strides = array<i32>} : memref<2x512x16xf32, #tpu.memory_space<vmem>>, vector<16xf32>,
      %add3A_392 = arith.constant 0 : i32
      %add3A_393 = vector.broadcast %add3A_392 : i32 to vector<16xi32>
      %add3A_394 = arith.addi %mul3A_5, %add3A_393 : vector<16xi32>
      %add3A_395 = vector.broadcast %add3A_386 : i32 to vector<16xi32>
      %add3A_396 = arith.addi %mul3A_5, %add3A_395 : vector<16xi32>
      tpu.vector_store_idx %arg10[%add3A_394, %mul3A_5, %mul3A_5, %iota3A, %add3A_396], %get3A_391 : memref<2x1x1x16x513xf32, #tpu.memory_space<vmem>>[vector<16xi32>, vector<16xi32>, vector<16xi32>, vector<16xi32>, vector<16xi32>], vector<16xf32>,
      %mul3A_397 = arith.constant 8 : i32
      %mul3A_398 = arith.muli %scan3A_298, %mul3A_397 : i32
      %add3A_399 = arith.constant 7 : i32
      %add3A_400 = arith.addi %mul3A_398, %add3A_399 : i32
      %get3A_401 = arith.constant 0 : i32
      %get3A_402 = arith.index_cast %get3A_401 : i32 to index
      %get3A_403 = arith.index_cast %add3A_400 : i32 to index
      %get3A_404 = arith.constant 0 : index
      %get3A_405 = tpu.vector_load %arg9[%get3A_402, %get3A_403, %get3A_404] {strides = array<i32>} : memref<2x512x16xf32, #tpu.memory_space<vmem>>, vector<16xf32>,
      %add3A_406 = arith.constant 0 : i32
      %add3A_407 = vector.broadcast %add3A_406 : i32 to vector<16xi32>
      %add3A_408 = arith.addi %mul3A_5, %add3A_407 : vector<16xi32>
      %add3A_409 = vector.broadcast %add3A_400 : i32 to vector<16xi32>
      %add3A_410 = arith.addi %mul3A_5, %add3A_409 : vector<16xi32>
      tpu.vector_store_idx %arg10[%add3A_408, %mul3A_5, %mul3A_5, %iota3A, %add3A_410], %get3A_405 : memref<2x1x1x16x513xf32, #tpu.memory_space<vmem>>[vector<16xi32>, vector<16xi32>, vector<16xi32>, vector<16xi32>, vector<16xi32>], vector<16xf32>,
      %scan3A_411 = arith.constant 0 : i32
      scf.yield %scan3A_411 : i32
    }
    %scan3A_170 = arith.constant 64 : i32
    %dma_start3A_171 = arith.constant 0 : i32
    %dma_start3A_172 = arith.constant 0 : i32
    %dma_start3A_173 = arith.constant 0 : i32
    %dma_start3A_174 = arith.constant 0 : i32
    %dma_start3A_175 = arith.constant 0 : i32
    %dma_start3A_176 = tpu.memref_slice %arg10[%dma_start3A_171, %dma_start3A_172, %dma_start3A_173, %dma_start3A_174, %dma_start3A_175] : memref<2x1x1x16x513xf32, #tpu.memory_space<vmem>> -> memref<1x1x1x16x512xf32, #tpu.memory_space<vmem>>
    %dma_start3A_177 = tpu.memref_squeeze %dma_start3A_176 : memref<1x1x1x16x512xf32, #tpu.memory_space<vmem>> -> memref<1x1x16x512xf32, #tpu.memory_space<vmem>>
    %dma_start3A_178 = arith.constant 0 : i32
    %dma_start3A_179 = arith.constant 48 : i32
    %dma_start3A_180 = arith.constant 0 : i32
    %dma_start3A_181 = tpu.memref_slice %arg5[%dma_start3A_178, %dma_start3A_179, %dma_start3A_180, %mul3A_2] : memref<1x50x16x16384xf32, #tpu.memory_space<hbm>> -> memref<1x1x16x512xf32, #tpu.memory_space<hbm>>
    %dma_start3A_182 = arith.constant 0 : i32
    %dma_start3A_183 = arith.constant 48 : i32
    %dma_start3A_184 = arith.constant 0 : i32
    %dma_start3A_185 = tpu.memref_slice %arg5[%dma_start3A_182, %dma_start3A_183, %dma_start3A_184, %mul3A_2] : memref<1x50x16x16384xf32, #tpu.memory_space<hbm>> -> memref<1x1x16x512xf32, #tpu.memory_space<hbm>>
    %dma_start3A_186 = arith.constant 0 : i32
    %dma_start3A_187 = arith.constant 0 : i32
    %dma_start3A_188 = arith.constant 0 : i32
    %dma_start3A_189 = arith.constant 0 : i32
    %dma_start3A_190 = tpu.memref_slice %arg10[%dma_start3A_171, %dma_start3A_186, %dma_start3A_187, %dma_start3A_188, %dma_start3A_189] : memref<2x1x1x16x513xf32, #tpu.memory_space<vmem>> -> memref<1x1x1x16x512xf32, #tpu.memory_space<vmem>>
    %dma_start3A_191 = tpu.memref_squeeze %dma_start3A_190 : memref<1x1x1x16x512xf32, #tpu.memory_space<vmem>> -> memref<1x1x16x512xf32, #tpu.memory_space<vmem>>
    tpu.enqueue_dma source(%dma_start3A_191 : memref<1x1x16x512xf32, #tpu.memory_space<vmem>>) target(%dma_start3A_185 : memref<1x1x16x512xf32, #tpu.memory_space<hbm>>) target_semaphore(%arg13 : memref<!tpu.dma_semaphore, #tpu.memory_space<semaphore_mem>>)
    %dma_wait3A_192 = arith.constant 1 : i32
    %dma_wait3A_193 = arith.constant 0 : i32
    %dma_wait3A_194 = arith.constant 0 : i32
    %dma_wait3A_195 = tpu.memref_slice %arg9[%dma_wait3A_192, %dma_wait3A_193, %dma_wait3A_194] : memref<2x512x16xf32, #tpu.memory_space<vmem>> -> memref<1x512x16xf32, #tpu.memory_space<vmem>>
    %dma_wait3A_196 = tpu.memref_squeeze %dma_wait3A_195 : memref<1x512x16xf32, #tpu.memory_space<vmem>> -> memref<512x16xf32, #tpu.memory_space<vmem>>
    %dma_wait3A_197 = arith.constant 0 : i32
    %dma_wait3A_198 = arith.constant 0 : i32
    %dma_wait3A_199 = tpu.memref_slice %arg4[%dma_wait3A_197, %dma_wait3A_198] : memref<1000000x16xf32, #tpu.memory_space<hbm>> -> memref<512x16xf32, #tpu.memory_space<hbm>>
    %dma_wait3A_200 = arith.constant 0 : i32
    %dma_wait3A_201 = arith.constant 0 : i32
    %dma_wait3A_202 = tpu.memref_slice %arg9[%dma_wait3A_192, %dma_wait3A_200, %dma_wait3A_201] : memref<2x512x16xf32, #tpu.memory_space<vmem>> -> memref<1x512x16xf32, #tpu.memory_space<vmem>>
    %dma_wait3A_203 = tpu.memref_squeeze %dma_wait3A_202 : memref<1x512x16xf32, #tpu.memory_space<vmem>> -> memref<512x16xf32, #tpu.memory_space<vmem>>
    %dma_wait3A_204 = arith.constant 0 : i32
    %dma_wait3A_205 = arith.constant 0 : i32
    %dma_wait3A_206 = tpu.memref_slice %arg4[%dma_wait3A_204, %dma_wait3A_205] : memref<1000000x16xf32, #tpu.memory_space<hbm>> -> memref<512x16xf32, #tpu.memory_space<hbm>>
    tpu.wait_dma2 semaphore(%arg12 : memref<!tpu.dma_semaphore, #tpu.memory_space<semaphore_mem>>) src(%dma_wait3A_206 : memref<512x16xf32, #tpu.memory_space<hbm>>) dst(%dma_wait3A_203 : memref<512x16xf32, #tpu.memory_space<vmem>>)
    %dma_wait3A_207 = arith.constant 1 : i32
    %dma_wait3A_208 = arith.constant 0 : i32
    %dma_wait3A_209 = arith.constant 0 : i32
    %dma_wait3A_210 = arith.constant 0 : i32
    %dma_wait3A_211 = arith.constant 0 : i32
    %dma_wait3A_212 = tpu.memref_slice %arg10[%dma_wait3A_207, %dma_wait3A_208, %dma_wait3A_209, %dma_wait3A_210, %dma_wait3A_211] : memref<2x1x1x16x513xf32, #tpu.memory_space<vmem>> -> memref<1x1x1x16x512xf32, #tpu.memory_space<vmem>>
    %dma_wait3A_213 = tpu.memref_squeeze %dma_wait3A_212 : memref<1x1x1x16x512xf32, #tpu.memory_space<vmem>> -> memref<1x1x16x512xf32, #tpu.memory_space<vmem>>
    %dma_wait3A_214 = arith.constant 0 : i32
    %dma_wait3A_215 = arith.constant 0 : i32
    %dma_wait3A_216 = arith.constant 0 : i32
    %dma_wait3A_217 = tpu.memref_slice %arg5[%dma_wait3A_214, %dma_wait3A_215, %dma_wait3A_216, %mul3A_2] : memref<1x50x16x16384xf32, #tpu.memory_space<hbm>> -> memref<1x1x16x512xf32, #tpu.memory_space<hbm>>
    %dma_wait3A_218 = arith.constant 0 : i32
    %dma_wait3A_219 = arith.constant 0 : i32
    %dma_wait3A_220 = arith.constant 0 : i32
    %dma_wait3A_221 = tpu.memref_slice %arg5[%dma_wait3A_218, %dma_wait3A_219, %dma_wait3A_220, %mul3A_2] : memref<1x50x16x16384xf32, #tpu.memory_space<hbm>> -> memref<1x1x16x512xf32, #tpu.memory_space<hbm>>
    %dma_wait3A_222 = arith.constant 0 : i32
    %dma_wait3A_223 = arith.constant 0 : i32
    %dma_wait3A_224 = arith.constant 0 : i32
    %dma_wait3A_225 = arith.constant 0 : i32
    %dma_wait3A_226 = tpu.memref_slice %arg10[%dma_wait3A_207, %dma_wait3A_222, %dma_wait3A_223, %dma_wait3A_224, %dma_wait3A_225] : memref<2x1x1x16x513xf32, #tpu.memory_space<vmem>> -> memref<1x1x1x16x512xf32, #tpu.memory_space<vmem>>
    %dma_wait3A_227 = tpu.memref_squeeze %dma_wait3A_226 : memref<1x1x1x16x512xf32, #tpu.memory_space<vmem>> -> memref<1x1x16x512xf32, #tpu.memory_space<vmem>>
    tpu.wait_dma2 semaphore(%arg14 : memref<!tpu.dma_semaphore, #tpu.memory_space<semaphore_mem>>) src(%dma_wait3A_227 : memref<1x1x16x512xf32, #tpu.memory_space<vmem>>) dst(%dma_wait3A_221 : memref<1x1x16x512xf32, #tpu.memory_space<hbm>>)
    %scan3A_228 = arith.constant 0 : i32
    %scan3A_229 = arith.constant 0 : i32
    %scan3A_230 = arith.constant 64 : i32
    %scan3A_231 = arith.addi %scan3A_229, %scan3A_230 : i32
    %scan3A_232 = arith.constant 1 : i32
    %scan3A_233 = scf.for %scan3A_298 = %scan3A_229 to %scan3A_231 step %scan3A_232 iter_args(%scan3A_299 = %scan3A_228) -> (i32)  : i32 {
      %mul3A_300 = arith.constant 8 : i32
      %mul3A_301 = arith.muli %scan3A_298, %mul3A_300 : i32
      %add3A_302 = arith.constant 0 : i32
      %add3A_303 = arith.addi %mul3A_301, %add3A_302 : i32
      %get3A = arith.constant 1 : i32
      %get3A_304 = arith.index_cast %get3A : i32 to index
      %get3A_305 = arith.index_cast %add3A_303 : i32 to index
      %get3A_306 = arith.constant 0 : index
      %get3A_307 = tpu.vector_load %arg9[%get3A_304, %get3A_305, %get3A_306] {strides = array<i32>} : memref<2x512x16xf32, #tpu.memory_space<vmem>>, vector<16xf32>,
      %add3A_308 = arith.constant 1 : i32
      %add3A_309 = vector.broadcast %add3A_308 : i32 to vector<16xi32>
      %add3A_310 = arith.addi %mul3A_5, %add3A_309 : vector<16xi32>
      %add3A_311 = vector.broadcast %add3A_303 : i32 to vector<16xi32>
      %add3A_312 = arith.addi %mul3A_5, %add3A_311 : vector<16xi32>
      tpu.vector_store_idx %arg10[%add3A_310, %mul3A_5, %mul3A_5, %iota3A, %add3A_312], %get3A_307 : memref<2x1x1x16x513xf32, #tpu.memory_space<vmem>>[vector<16xi32>, vector<16xi32>, vector<16xi32>, vector<16xi32>, vector<16xi32>], vector<16xf32>,
      %mul3A_313 = arith.constant 8 : i32
      %mul3A_314 = arith.muli %scan3A_298, %mul3A_313 : i32
      %add3A_315 = arith.constant 1 : i32
      %add3A_316 = arith.addi %mul3A_314, %add3A_315 : i32
      %get3A_317 = arith.constant 1 : i32
      %get3A_318 = arith.index_cast %get3A_317 : i32 to index
      %get3A_319 = arith.index_cast %add3A_316 : i32 to index
      %get3A_320 = arith.constant 0 : index
      %get3A_321 = tpu.vector_load %arg9[%get3A_318, %get3A_319, %get3A_320] {strides = array<i32>} : memref<2x512x16xf32, #tpu.memory_space<vmem>>, vector<16xf32>,
      %add3A_322 = arith.constant 1 : i32
      %add3A_323 = vector.broadcast %add3A_322 : i32 to vector<16xi32>
      %add3A_324 = arith.addi %mul3A_5, %add3A_323 : vector<16xi32>
      %add3A_325 = vector.broadcast %add3A_316 : i32 to vector<16xi32>
      %add3A_326 = arith.addi %mul3A_5, %add3A_325 : vector<16xi32>
      tpu.vector_store_idx %arg10[%add3A_324, %mul3A_5, %mul3A_5, %iota3A, %add3A_326], %get3A_321 : memref<2x1x1x16x513xf32, #tpu.memory_space<vmem>>[vector<16xi32>, vector<16xi32>, vector<16xi32>, vector<16xi32>, vector<16xi32>], vector<16xf32>,
      %mul3A_327 = arith.constant 8 : i32
      %mul3A_328 = arith.muli %scan3A_298, %mul3A_327 : i32
      %add3A_329 = arith.constant 2 : i32
      %add3A_330 = arith.addi %mul3A_328, %add3A_329 : i32
      %get3A_331 = arith.constant 1 : i32
      %get3A_332 = arith.index_cast %get3A_331 : i32 to index
      %get3A_333 = arith.index_cast %add3A_330 : i32 to index
      %get3A_334 = arith.constant 0 : index
      %get3A_335 = tpu.vector_load %arg9[%get3A_332, %get3A_333, %get3A_334] {strides = array<i32>} : memref<2x512x16xf32, #tpu.memory_space<vmem>>, vector<16xf32>,
      %add3A_336 = arith.constant 1 : i32
      %add3A_337 = vector.broadcast %add3A_336 : i32 to vector<16xi32>
      %add3A_338 = arith.addi %mul3A_5, %add3A_337 : vector<16xi32>
      %add3A_339 = vector.broadcast %add3A_330 : i32 to vector<16xi32>
      %add3A_340 = arith.addi %mul3A_5, %add3A_339 : vector<16xi32>
      tpu.vector_store_idx %arg10[%add3A_338, %mul3A_5, %mul3A_5, %iota3A, %add3A_340], %get3A_335 : memref<2x1x1x16x513xf32, #tpu.memory_space<vmem>>[vector<16xi32>, vector<16xi32>, vector<16xi32>, vector<16xi32>, vector<16xi32>], vector<16xf32>,
      %mul3A_341 = arith.constant 8 : i32
      %mul3A_342 = arith.muli %scan3A_298, %mul3A_341 : i32
      %add3A_343 = arith.constant 3 : i32
      %add3A_344 = arith.addi %mul3A_342, %add3A_343 : i32
      %get3A_345 = arith.constant 1 : i32
      %get3A_346 = arith.index_cast %get3A_345 : i32 to index
      %get3A_347 = arith.index_cast %add3A_344 : i32 to index
      %get3A_348 = arith.constant 0 : index
      %get3A_349 = tpu.vector_load %arg9[%get3A_346, %get3A_347, %get3A_348] {strides = array<i32>} : memref<2x512x16xf32, #tpu.memory_space<vmem>>, vector<16xf32>,
      %add3A_350 = arith.constant 1 : i32
      %add3A_351 = vector.broadcast %add3A_350 : i32 to vector<16xi32>
      %add3A_352 = arith.addi %mul3A_5, %add3A_351 : vector<16xi32>
      %add3A_353 = vector.broadcast %add3A_344 : i32 to vector<16xi32>
      %add3A_354 = arith.addi %mul3A_5, %add3A_353 : vector<16xi32>
      tpu.vector_store_idx %arg10[%add3A_352, %mul3A_5, %mul3A_5, %iota3A, %add3A_354], %get3A_349 : memref<2x1x1x16x513xf32, #tpu.memory_space<vmem>>[vector<16xi32>, vector<16xi32>, vector<16xi32>, vector<16xi32>, vector<16xi32>], vector<16xf32>,
      %mul3A_355 = arith.constant 8 : i32
      %mul3A_356 = arith.muli %scan3A_298, %mul3A_355 : i32
      %add3A_357 = arith.constant 4 : i32
      %add3A_358 = arith.addi %mul3A_356, %add3A_357 : i32
      %get3A_359 = arith.constant 1 : i32
      %get3A_360 = arith.index_cast %get3A_359 : i32 to index
      %get3A_361 = arith.index_cast %add3A_358 : i32 to index
      %get3A_362 = arith.constant 0 : index
      %get3A_363 = tpu.vector_load %arg9[%get3A_360, %get3A_361, %get3A_362] {strides = array<i32>} : memref<2x512x16xf32, #tpu.memory_space<vmem>>, vector<16xf32>,
      %add3A_364 = arith.constant 1 : i32
      %add3A_365 = vector.broadcast %add3A_364 : i32 to vector<16xi32>
      %add3A_366 = arith.addi %mul3A_5, %add3A_365 : vector<16xi32>
      %add3A_367 = vector.broadcast %add3A_358 : i32 to vector<16xi32>
      %add3A_368 = arith.addi %mul3A_5, %add3A_367 : vector<16xi32>
      tpu.vector_store_idx %arg10[%add3A_366, %mul3A_5, %mul3A_5, %iota3A, %add3A_368], %get3A_363 : memref<2x1x1x16x513xf32, #tpu.memory_space<vmem>>[vector<16xi32>, vector<16xi32>, vector<16xi32>, vector<16xi32>, vector<16xi32>], vector<16xf32>,
      %mul3A_369 = arith.constant 8 : i32
      %mul3A_370 = arith.muli %scan3A_298, %mul3A_369 : i32
      %add3A_371 = arith.constant 5 : i32
      %add3A_372 = arith.addi %mul3A_370, %add3A_371 : i32
      %get3A_373 = arith.constant 1 : i32
      %get3A_374 = arith.index_cast %get3A_373 : i32 to index
      %get3A_375 = arith.index_cast %add3A_372 : i32 to index
      %get3A_376 = arith.constant 0 : index
      %get3A_377 = tpu.vector_load %arg9[%get3A_374, %get3A_375, %get3A_376] {strides = array<i32>} : memref<2x512x16xf32, #tpu.memory_space<vmem>>, vector<16xf32>,
      %add3A_378 = arith.constant 1 : i32
      %add3A_379 = vector.broadcast %add3A_378 : i32 to vector<16xi32>
      %add3A_380 = arith.addi %mul3A_5, %add3A_379 : vector<16xi32>
      %add3A_381 = vector.broadcast %add3A_372 : i32 to vector<16xi32>
      %add3A_382 = arith.addi %mul3A_5, %add3A_381 : vector<16xi32>
      tpu.vector_store_idx %arg10[%add3A_380, %mul3A_5, %mul3A_5, %iota3A, %add3A_382], %get3A_377 : memref<2x1x1x16x513xf32, #tpu.memory_space<vmem>>[vector<16xi32>, vector<16xi32>, vector<16xi32>, vector<16xi32>, vector<16xi32>], vector<16xf32>,
      %mul3A_383 = arith.constant 8 : i32
      %mul3A_384 = arith.muli %scan3A_298, %mul3A_383 : i32
      %add3A_385 = arith.constant 6 : i32
      %add3A_386 = arith.addi %mul3A_384, %add3A_385 : i32
      %get3A_387 = arith.constant 1 : i32
      %get3A_388 = arith.index_cast %get3A_387 : i32 to index
      %get3A_389 = arith.index_cast %add3A_386 : i32 to index
      %get3A_390 = arith.constant 0 : index
      %get3A_391 = tpu.vector_load %arg9[%get3A_388, %get3A_389, %get3A_390] {strides = array<i32>} : memref<2x512x16xf32, #tpu.memory_space<vmem>>, vector<16xf32>,
      %add3A_392 = arith.constant 1 : i32
      %add3A_393 = vector.broadcast %add3A_392 : i32 to vector<16xi32>
      %add3A_394 = arith.addi %mul3A_5, %add3A_393 : vector<16xi32>
      %add3A_395 = vector.broadcast %add3A_386 : i32 to vector<16xi32>
      %add3A_396 = arith.addi %mul3A_5, %add3A_395 : vector<16xi32>
      tpu.vector_store_idx %arg10[%add3A_394, %mul3A_5, %mul3A_5, %iota3A, %add3A_396], %get3A_391 : memref<2x1x1x16x513xf32, #tpu.memory_space<vmem>>[vector<16xi32>, vector<16xi32>, vector<16xi32>, vector<16xi32>, vector<16xi32>], vector<16xf32>,
      %mul3A_397 = arith.constant 8 : i32
      %mul3A_398 = arith.muli %scan3A_298, %mul3A_397 : i32
      %add3A_399 = arith.constant 7 : i32
      %add3A_400 = arith.addi %mul3A_398, %add3A_399 : i32
      %get3A_401 = arith.constant 1 : i32
      %get3A_402 = arith.index_cast %get3A_401 : i32 to index
      %get3A_403 = arith.index_cast %add3A_400 : i32 to index
      %get3A_404 = arith.constant 0 : index
      %get3A_405 = tpu.vector_load %arg9[%get3A_402, %get3A_403, %get3A_404] {strides = array<i32>} : memref<2x512x16xf32, #tpu.memory_space<vmem>>, vector<16xf32>,
      %add3A_406 = arith.constant 1 : i32
      %add3A_407 = vector.broadcast %add3A_406 : i32 to vector<16xi32>
      %add3A_408 = arith.addi %mul3A_5, %add3A_407 : vector<16xi32>
      %add3A_409 = vector.broadcast %add3A_400 : i32 to vector<16xi32>
      %add3A_410 = arith.addi %mul3A_5, %add3A_409 : vector<16xi32>
      tpu.vector_store_idx %arg10[%add3A_408, %mul3A_5, %mul3A_5, %iota3A, %add3A_410], %get3A_405 : memref<2x1x1x16x513xf32, #tpu.memory_space<vmem>>[vector<16xi32>, vector<16xi32>, vector<16xi32>, vector<16xi32>, vector<16xi32>], vector<16xf32>,
      %scan3A_411 = arith.constant 0 : i32
      scf.yield %scan3A_411 : i32
    }
    %scan3A_234 = arith.constant 64 : i32
    %dma_start3A_235 = arith.constant 1 : i32
    %dma_start3A_236 = arith.constant 0 : i32
    %dma_start3A_237 = arith.constant 0 : i32
    %dma_start3A_238 = arith.constant 0 : i32
    %dma_start3A_239 = arith.constant 0 : i32
    %dma_start3A_240 = tpu.memref_slice %arg10[%dma_start3A_235, %dma_start3A_236, %dma_start3A_237, %dma_start3A_238, %dma_start3A_239] : memref<2x1x1x16x513xf32, #tpu.memory_space<vmem>> -> memref<1x1x1x16x512xf32, #tpu.memory_space<vmem>>
    %dma_start3A_241 = tpu.memref_squeeze %dma_start3A_240 : memref<1x1x1x16x512xf32, #tpu.memory_space<vmem>> -> memref<1x1x16x512xf32, #tpu.memory_space<vmem>>
    %dma_start3A_242 = arith.constant 0 : i32
    %dma_start3A_243 = arith.constant 49 : i32
    %dma_start3A_244 = arith.constant 0 : i32
    %dma_start3A_245 = tpu.memref_slice %arg5[%dma_start3A_242, %dma_start3A_243, %dma_start3A_244, %mul3A_2] : memref<1x50x16x16384xf32, #tpu.memory_space<hbm>> -> memref<1x1x16x512xf32, #tpu.memory_space<hbm>>
    %dma_start3A_246 = arith.constant 0 : i32
    %dma_start3A_247 = arith.constant 49 : i32
    %dma_start3A_248 = arith.constant 0 : i32
    %dma_start3A_249 = tpu.memref_slice %arg5[%dma_start3A_246, %dma_start3A_247, %dma_start3A_248, %mul3A_2] : memref<1x50x16x16384xf32, #tpu.memory_space<hbm>> -> memref<1x1x16x512xf32, #tpu.memory_space<hbm>>
    %dma_start3A_250 = arith.constant 0 : i32
    %dma_start3A_251 = arith.constant 0 : i32
    %dma_start3A_252 = arith.constant 0 : i32
    %dma_start3A_253 = arith.constant 0 : i32
    %dma_start3A_254 = tpu.memref_slice %arg10[%dma_start3A_235, %dma_start3A_250, %dma_start3A_251, %dma_start3A_252, %dma_start3A_253] : memref<2x1x1x16x513xf32, #tpu.memory_space<vmem>> -> memref<1x1x1x16x512xf32, #tpu.memory_space<vmem>>
    %dma_start3A_255 = tpu.memref_squeeze %dma_start3A_254 : memref<1x1x1x16x512xf32, #tpu.memory_space<vmem>> -> memref<1x1x16x512xf32, #tpu.memory_space<vmem>>
    tpu.enqueue_dma source(%dma_start3A_255 : memref<1x1x16x512xf32, #tpu.memory_space<vmem>>) target(%dma_start3A_249 : memref<1x1x16x512xf32, #tpu.memory_space<hbm>>) target_semaphore(%arg14 : memref<!tpu.dma_semaphore, #tpu.memory_space<semaphore_mem>>)
    %dma_wait3A_256 = arith.constant 0 : i32
    %dma_wait3A_257 = arith.constant 0 : i32
    %dma_wait3A_258 = arith.constant 0 : i32
    %dma_wait3A_259 = arith.constant 0 : i32
    %dma_wait3A_260 = arith.constant 0 : i32
    %dma_wait3A_261 = tpu.memref_slice %arg10[%dma_wait3A_256, %dma_wait3A_257, %dma_wait3A_258, %dma_wait3A_259, %dma_wait3A_260] : memref<2x1x1x16x513xf32, #tpu.memory_space<vmem>> -> memref<1x1x1x16x512xf32, #tpu.memory_space<vmem>>
    %dma_wait3A_262 = tpu.memref_squeeze %dma_wait3A_261 : memref<1x1x1x16x512xf32, #tpu.memory_space<vmem>> -> memref<1x1x16x512xf32, #tpu.memory_space<vmem>>
    %dma_wait3A_263 = arith.constant 0 : i32
    %dma_wait3A_264 = arith.constant 0 : i32
    %dma_wait3A_265 = arith.constant 0 : i32
    %dma_wait3A_266 = tpu.memref_slice %arg5[%dma_wait3A_263, %dma_wait3A_264, %dma_wait3A_265, %mul3A_2] : memref<1x50x16x16384xf32, #tpu.memory_space<hbm>> -> memref<1x1x16x512xf32, #tpu.memory_space<hbm>>
    %dma_wait3A_267 = arith.constant 0 : i32
    %dma_wait3A_268 = arith.constant 0 : i32
    %dma_wait3A_269 = arith.constant 0 : i32
    %dma_wait3A_270 = tpu.memref_slice %arg5[%dma_wait3A_267, %dma_wait3A_268, %dma_wait3A_269, %mul3A_2] : memref<1x50x16x16384xf32, #tpu.memory_space<hbm>> -> memref<1x1x16x512xf32, #tpu.memory_space<hbm>>
    %dma_wait3A_271 = arith.constant 0 : i32
    %dma_wait3A_272 = arith.constant 0 : i32
    %dma_wait3A_273 = arith.constant 0 : i32
    %dma_wait3A_274 = arith.constant 0 : i32
    %dma_wait3A_275 = tpu.memref_slice %arg10[%dma_wait3A_256, %dma_wait3A_271, %dma_wait3A_272, %dma_wait3A_273, %dma_wait3A_274] : memref<2x1x1x16x513xf32, #tpu.memory_space<vmem>> -> memref<1x1x1x16x512xf32, #tpu.memory_space<vmem>>
    %dma_wait3A_276 = tpu.memref_squeeze %dma_wait3A_275 : memref<1x1x1x16x512xf32, #tpu.memory_space<vmem>> -> memref<1x1x16x512xf32, #tpu.memory_space<vmem>>
    tpu.wait_dma2 semaphore(%arg13 : memref<!tpu.dma_semaphore, #tpu.memory_space<semaphore_mem>>) src(%dma_wait3A_276 : memref<1x1x16x512xf32, #tpu.memory_space<vmem>>) dst(%dma_wait3A_270 : memref<1x1x16x512xf32, #tpu.memory_space<hbm>>)
    %dma_wait3A_277 = arith.constant 1 : i32
    %dma_wait3A_278 = arith.constant 0 : i32
    %dma_wait3A_279 = arith.constant 0 : i32
    %dma_wait3A_280 = arith.constant 0 : i32
    %dma_wait3A_281 = arith.constant 0 : i32
    %dma_wait3A_282 = tpu.memref_slice %arg10[%dma_wait3A_277, %dma_wait3A_278, %dma_wait3A_279, %dma_wait3A_280, %dma_wait3A_281] : memref<2x1x1x16x513xf32, #tpu.memory_space<vmem>> -> memref<1x1x1x16x512xf32, #tpu.memory_space<vmem>>
    %dma_wait3A_283 = tpu.memref_squeeze %dma_wait3A_282 : memref<1x1x1x16x512xf32, #tpu.memory_space<vmem>> -> memref<1x1x16x512xf32, #tpu.memory_space<vmem>>
    %dma_wait3A_284 = arith.constant 0 : i32
    %dma_wait3A_285 = arith.constant 0 : i32
    %dma_wait3A_286 = arith.constant 0 : i32
    %dma_wait3A_287 = tpu.memref_slice %arg5[%dma_wait3A_284, %dma_wait3A_285, %dma_wait3A_286, %mul3A_2] : memref<1x50x16x16384xf32, #tpu.memory_space<hbm>> -> memref<1x1x16x512xf32, #tpu.memory_space<hbm>>
    %dma_wait3A_288 = arith.constant 0 : i32
    %dma_wait3A_289 = arith.constant 0 : i32
    %dma_wait3A_290 = arith.constant 0 : i32
    %dma_wait3A_291 = tpu.memref_slice %arg5[%dma_wait3A_288, %dma_wait3A_289, %dma_wait3A_290, %mul3A_2] : memref<1x50x16x16384xf32, #tpu.memory_space<hbm>> -> memref<1x1x16x512xf32, #tpu.memory_space<hbm>>
    %dma_wait3A_292 = arith.constant 0 : i32
    %dma_wait3A_293 = arith.constant 0 : i32
    %dma_wait3A_294 = arith.constant 0 : i32
    %dma_wait3A_295 = arith.constant 0 : i32
    %dma_wait3A_296 = tpu.memref_slice %arg10[%dma_wait3A_277, %dma_wait3A_292, %dma_wait3A_293, %dma_wait3A_294, %dma_wait3A_295] : memref<2x1x1x16x513xf32, #tpu.memory_space<vmem>> -> memref<1x1x1x16x512xf32, #tpu.memory_space<vmem>>
    %dma_wait3A_297 = tpu.memref_squeeze %dma_wait3A_296 : memref<1x1x1x16x512xf32, #tpu.memory_space<vmem>> -> memref<1x1x16x512xf32, #tpu.memory_space<vmem>>
    tpu.wait_dma2 semaphore(%arg14 : memref<!tpu.dma_semaphore, #tpu.memory_space<semaphore_mem>>) src(%dma_wait3A_297 : memref<1x1x16x512xf32, #tpu.memory_space<vmem>>) dst(%dma_wait3A_291 : memref<1x1x16x512xf32, #tpu.memory_space<hbm>>)
    return
  }
}

</mosaic_0001>

<sc_bundles>
// kernel: kernel.3.cloned.1.call-start
scs
__scs_entry_jumppad:
0x0: {  	(pc) =	sbr.rel $0x88, $3  }
0x1: {  	(tag) =	ssettag $0x0;
	lr =	simm.s32 $0x1  }
0x2: {  	[smem:$0x3F9E] =	sst lr;
	_ =	strace $0xD0000000  }
0x3: {  	_ = 	snop  }
0x4: {  	_ = 	snop  }
0x5: {  	_ = 	snop  }
0x6: {  	_ = 	snop  }
0x7: {  	_ = 	snop  }
__scs_overlays_trampoline_lowered:
0x8: {  	[smem:$0x3FAD] =	sst s0  }
0x9: {  	[smem:$0x3FAE] =	sst s1  }
0xa: {  	[smem:$0x3FAF] =	sst s2  }
0xb: {  	[smem:$0x3FB0] =	sst s3  }
0xc: {  	[smem:$0x3FB1] =	sst s4  }
0xd: {  	[smem:$0x3FB2] =	sst s5  }
0xe: {  	[smem:$0x3FB3] =	sst s6  }
0xf: {  	[smem:$0x3FB4] =	sst s7  }
0x10: {  	[smem:$0x3FB5] =	sst s8  }
0x11: {  	[smem:$0x3FB6] =	sst s9;
	s0 =	simm.s32 @!p0 $0x0  }
0x12: {  	s1 =	sld [smem:$0x3F9C];
	s0 =	simm.s32 @p0 $0x1  }
0x13: {  	[smem:$0x3FB7] =	sst s0;
	s0 =	simm.s32 @!p1 $0x0  }
0x14: {  	s2 =	sld [smem:$0x3F9B];
	s0 =	simm.s32 @p1 $0x1  }
0x15: {  	[smem:$0x3FB8] =	sst s0;
	s0 =	simm.s32 @!p2 $0x0  }
0x16: {  	s3 =	sld [smem:$0x3FDB];
	s0 =	simm.s32 @p2 $0x1  }
0x17: {  	s4 =	simm.s32 $0x1BF5;
	[smem:$0x3FBA] =	sst s0  }
0x18: {  	s0 =	sld [smem:$0x3F9D];
	_ =	swait.ge [sflag:s4], $0x0  }
0x19: {  	s7 =	sld [smem:$0x3F9E]  }
0x1a: {  	s8 =	sadd.s32 $0xFFFFE003, lr  }
0x1b: {  	s9 =	sadd.s32 $0xFFFFFEF7, lr;
	s5 =	simm.s32 $0xFFFFFFFF;
	p2 =	slt.u32 s8, $0xFFFFF086  }
0x1c: {  	p1 =	slt.u32 s9, $0xF7A;
	s5 =	simm.s32 @!p2 $0x0  }
0x1d: {  	s5 =	simm.s32 @p1 $0x1;
	p0 =	seq.s32 s7, s2  }
0x1e: {  	s7 =	smul.u32 @!p0 $0xF7A, s2;
	p2 =	seq.s32 @!p0 s5, $0x0  }
0x1f: {  	s9 =	smul.u32 $0xF7A, s1;
	s8 =	simm.s32 @!p0 $0x1BF5;
	p2 =	por !p2, p0  }
0x20: {  	[sflag:s8] =	ssyncset.s32 @!p0 $0xFFFFF086;
	s6 =	sadd.s32 @!p0 s3, s7;
	s7 =	simm.s32 @!p0 $0x108  }
0x21: {  	s3 =	sadd.s32 s3, s9;
	s6 =	sadd.s32 @!p0 $0x88, s6;
	s7 =	simm.s32 @p2 $0x1082  }
0x22: {  	[simem:s7], [sflag:s8] =	dma.local @!p0 [hbm:s6], $0xF7A  }
0x23: {  	s9 =	sor.u32 $0xD0000000, s2;
	s6 =	simm.s32 $0x108;
	_ =	swait.ge @!p0 [sflag:s8], $0x0  }
0x24: {  	s3 =	sadd.s32 $0x88, s3;
	s6 =	simm.s32 @!p1 $0x1082;
	[sflag:s4] =	ssyncset.s32 $0xFFFFF086  }
0x25: {  	[simem:s6], [sflag:s4] =	dma.local [hbm:s3], $0xF7A  }
0x26: {  	[smem:$0x3F9E] =	sst s1;
	(tag) =	ssettag s2;
	_ =	strace s9  }
0x27: {  	s1 =	sld [smem:$0x3FAE]  }
0x28: {  	s2 =	sld [smem:$0x3FAF]  }
0x29: {  	s4 =	sld [smem:$0x3FB1]  }
0x2a: {  	p0 =	seq.s32 s5, $0x0;
	s5 =	sld [smem:$0x3FB2]  }
0x2b: {  	s6 =	sld [smem:$0x3FB3]  }
0x2c: {  	s7 =	sld [smem:$0x3FB4]  }
0x2d: {  	s3 =	simm.s32 $0x108;
	s8 =	sld [smem:$0x3FB5]  }
0x2e: {  	s3 =	simm.s32 @!p0 $0x1082;
	s9 =	sld [smem:$0x3FB6]  }
0x2f: {  	lr =	sadd.s32 s0, s3;
	s0 =	sld [smem:$0x3FAD]  }
0x30: {  	s3 =	sld [smem:$0x3FB0]  }
0x31: {  	[smem:$0x3FB9] =	sst s10  }
0x32: {  	s10 =	sld [smem:$0x3FB7];
	_ =	sdelay $0x3  }
0x33: {  	p0 =	seq.s32 s10, $0x1;
	s10 =	sld [smem:$0x3FB9];
	_ =	sdelay $0x3  }
0x34: {  	[smem:$0x3FB9] =	sst s10  }
0x35: {  	s10 =	sld [smem:$0x3FB8];
	_ =	sdelay $0x3  }
0x36: {  	p1 =	seq.s32 s10, $0x1;
	s10 =	sld [smem:$0x3FB9];
	_ =	sdelay $0x3  }
0x37: {  	[smem:$0x3FB9] =	sst s10  }
0x38: {  	s10 =	sld [smem:$0x3FBA]  }
0x39: {  	_ = 	snop;
	(pc) =	sbr.ind lr, $3  }
0x3a: {  	_ = 	snop  }
0x3b: {  	_ = 	snop  }
0x3c: {  	p2 =	seq.s32 s10, $0x1;
	s10 =	sld [smem:$0x3FB9]  }
0x3d: {  	_ =	shalt  }
0x3e: {  	_ =	shalt  }
0x3f: {  	_ =	shalt  }
0x40: {  	_ =	shalt  }
0x41: {  	_ =	shalt  }
0x42: {  	_ =	shalt  }
0x43: {  	_ =	shalt  }
0x44: {  	_ =	shalt  }
0x45: {  	_ =	shalt  }
0x46: {  	_ =	shalt  }
0x47: {  	_ =	shalt  }
0x48: {  	_ =	shalt  }
0x49: {  	_ =	shalt  }
0x4a: {  	_ =	shalt  }
0x4b: {  	_ =	shalt  }
0x4c: {  	_ =	shalt  }
0x4d: {  	_ =	shalt  }
0x4e: {  	_ =	shalt  }
0x4f: {  	_ =	shalt  }
0x50: {  	_ =	shalt  }
0x51: {  	_ =	shalt  }
0x52: {  	_ =	shalt  }
0x53: {  	_ =	shalt  }
0x54: {  	_ =	shalt  }
0x55: {  	_ =	shalt  }
0x56: {  	_ =	shalt  }
0x57: {  	_ =	shalt  }
0x58: {  	_ =	shalt  }
0x59: {  	_ =	shalt  }
0x5a: {  	_ =	shalt  }
0x5b: {  	_ =	shalt  }
0x5c: {  	_ =	shalt  }
0x5d: {  	_ =	shalt  }
0x5e: {  	_ =	shalt  }
0x5f: {  	_ =	shalt  }
0x60: {  	_ =	shalt  }
0x61: {  	_ =	shalt  }
0x62: {  	_ =	shalt  }
0x63: {  	_ =	shalt  }
0x64: {  	_ =	shalt  }
0x65: {  	_ =	shalt  }
0x66: {  	_ =	shalt  }
0x67: {  	_ =	shalt  }
0x68: {  	_ =	shalt  }
0x69: {  	_ =	shalt  }
0x6a: {  	_ =	shalt  }
0x6b: {  	_ =	shalt  }
0x6c: {  	_ =	shalt  }
0x6d: {  	_ =	shalt  }
0x6e: {  	_ =	shalt  }
0x6f: {  	_ =	shalt  }
0x70: {  	_ =	shalt  }
0x71: {  	_ =	shalt  }
0x72: {  	_ =	shalt  }
0x73: {  	_ =	shalt  }
0x74: {  	_ =	shalt  }
0x75: {  	_ =	shalt  }
0x76: {  	_ =	shalt  }
0x77: {  	_ =	shalt  }
0x78: {  	_ =	shalt  }
0x79: {  	_ =	shalt  }
0x7a: {  	_ =	shalt  }
0x7b: {  	_ =	shalt  }
0x7c: {  	_ =	shalt  }
0x7d: {  	_ =	shalt  }
0x7e: {  	_ =	shalt  }
0x7f: {  	_ =	shalt  }
0x80: {  	_ =	shalt  }
0x81: {  	_ =	shalt  }
0x82: {  	_ =	shalt  }
0x83: {  	_ =	shalt  }
0x84: {  	_ =	shalt  }
0x85: {  	_ =	shalt  }
0x86: {  	_ =	shalt  }
0x87: {  	_ =	shalt  }
.Lfunc_end0:
.L_simem_size_0:
called_computation_lowered:
.L_overlay_start_0:
0x88: {  	s2 =	sld [smem:$0x3FD9]  }
0x89: {  	s3 =	sld [smem:$0x3FFE];
	_ =	sdelay $0x1  }
0x8a: {  	s1 =	srdreg.scid  }
0x8b: {  	s0 =	sand.u32 $0x1, s1  }
0x8c: {  	s17 =	sshll.u32 s0, $0xA;
	s2 =	sadd.s32 s3, s2  }
0x8d: {  	s2 =	sadd.s32 s2, s17  }
0x8e: {  	[smem:$0x3FC5] =	sst s2  }
0x8f: {  	_ = 	snop  }
0x90: {  	s2 =	sld [smem:$0x3FC8]  }
0x91: {  	s18 =	sld [smem:$0x3FD0];
	(tm) =	ssettm $0x1  }
0x92: {  	s4 =	sld [smem:$0x3FFB];
	_ =	sdelay $0x3  }
0x93: {  	_ =	strace s4  }
0x94: {  	s4 =	sld [smem:$0x3FFC];
	_ =	sdelay $0x3  }
0x95: {  	_ =	strace s4  }
0x96: {  	s4 =	sld [smem:$0x3FFD];
	_ =	sdelay $0x3  }
0x97: {  	_ =	strace s4  }
0x98: {  	_ =	strace $0x8FFFFFFF  }
0x99: {  	s19 =	sld [smem:$0x3FDB];
	_ =	sdelay $0x1  }
0x9a: {  	s5 =	simm.s32 $_scs_section_size  }
0x9b: {  	s6 =	simm.s32 $_size__tile_overlayer_lowered;
	s7 =	simm.s32 $_tile_overlayer_lowered  }
0x9c: {  	s22 =	simm.s32 $0x1BFF;
	s21 =	sshll.u32 s7, $0x1;
	s4 =	sadd.s32 s5, s19  }
0x9d: {  	s8 =	simm.s32 $0x0;
	s20 =	sshll.u32 s6, $0x1;
	s6 =	sadd.s32 s21, s4  }
0x9e: {  	[timem:s8], [sflag:s22] =	dma.local [hbm:s6], s20  }
0x9f: {  	_ =	swait.ge [sflag:s22], s20  }
0xa0: {  	s5 =	ssub.s32 $0x0, s20;
	[sflag:s22] =	ssyncset.done $0x0  }
0xa1: {  	[sflag:s22] =	ssyncadd.s32 s5;
	_ =	sdelay $0x1  }
0xa2: {  	s23 =	simm.s32 $0x1B8B  }
0xa3: {  	_ =	swait.ge [sflag:s23], $0x1  }
0xa4: {  	[sflag:s23] =	ssyncset.done $0x0  }
0xa5: {  	s25 =	simm.s32 $0x1B8E;
	s24 =	sld [smem:$0x3FFE];
	[sflag:s23] =	ssyncadd.s32 $0xFFFFFFFF  }
0xa6: {  	s26 =	simm.s32 $execute0_lowered;
	[smem:$0x3FD2] =	sst s25  }
0xa7: {  	s6 =	sshll.u32 s26, $0x1;
	_ =	strace $0x80000046;
	[dreg:$0x1] =	wrdreg $0xFFFFFFFF  }
0xa8: {  	s28 =	simm.s32 $_size_execute0_lowered;
	s4 =	sadd.s32 s4, s6;
	[dreg:$0x0] =	wrdreg $0x0  }
0xa9: {  	s6 =	sshll.u32 s28, $0x1;
	[dreg:$0x2] =	wrdreg s4  }
0xaa: {  	[dreg:$0x3] =	wrdreg s6  }
0xab: {  	[dreg:$0x4] =	wrdreg $0xC0  }
0xac: {  	_ =	task [dreg:s8], $0x5FFFF  }
0xad: {  	[dreg:$0x1] =	wrdreg $0xFFFFFFFF  }
0xae: {  	[dreg:$0x0] =	wrdreg $0x60  }
0xaf: {  	[dreg:$0x2] =	wrdreg s18  }
0xb0: {  	[dreg:$0x3] =	wrdreg s2  }
0xb1: {  	[dreg:$0x4] =	wrdreg s24  }
0xb2: {  	[dreg:$0x5] =	wrdreg $0x9  }
0xb3: {  	_ =	task.clear_ibuf [dreg:s8], $0x6FFFF;
	_ =	strace $0x90000046  }
0xb4: {  	s29 =	simm.s32 $0x9;
	_ =	strace $0x80000048  }
0xb5: {  	_ =	swait.ge [sflag:s29], $0x1  }
0xb6: {  	[sflag:s29] =	ssyncadd.s32 $0xFFFFFFFF  }
0xb7: {  	_ =	strace $0x90000048  }
0xb8: {  	_ =	sfence  }
0xb9: {  	s30 =	sld [smem:$0x0];
	_ =	sdelay $0x2  }
0xba: {  	s31 =	sshll.u32 s1, $0xD;
	s1 =	sshrl.u32 s1, $0x2  }
0xbb: {  	s3 =	sand.u32 $0x4000, s31;
	s1 =	sadd.s32 s1, s30  }
0xbc: {  	s0 =	sor.u32 s3, s0;
	s1 =	sshll.u32 s1, $0x11  }
0xbd: {  	s0 =	sor.u32 s1, s0  }
0xbe: {  	s0 =	sadd.s32 $0x8F2B, s0  }
0xbf: {  	[sflag:s0] =	ssyncadd.remote.s32 $0x1  }
0xc0: {  	_ =	sfence.sel $0xFFFF  }
0xc1: {  	[dreg:$0x0] =	wrdreg $0xFFFFFFFF;
	(pc) =	sbr.abs _section_cstart, $3  }
0xc2: {  	[dreg:$0x1] =	wrdreg $0xFFFFFFFF  }
0xc3: {  	_ =	task.clear_ibuf [dreg:s8], $0x2FFFF;
	_ =	strace $0x9FFFFFFF  }
0xc4: {  	(tm) =	ssettm $0x7FFFFFFF  }
0xc5: {  	_ =	shalt  }
tec
execute0_lowered:
.L_overlay_start_1:
0x0: {  	(tag) =	ssettag $0x1  }
0x1: {  	s0 =	rddreg [dreg:$0x0]  }
0x2: {  	s1 =	rddreg [dreg:$0x1]  }
0x3: {  	s6 =	rddreg [dreg:$0x2]  }
0x4: {  	s3 =	srdreg.scid;
	s2 =	simm.s32 $0x0;
	s4 =	stileid.u32  }
0x5: {  	s15 =	simm.s32 $0x80;
	s13 =	simm.s32 $0xAA00;
	s24 =	simm.s32 $0x2  }
0x6: {  	s29 =	simm.s32 $0xD098;
	s30 =	simm.s32 $0xD2A0;
	s31 =	simm.s32 $0xD4A8  }
0x7: {  	s14 =	simm.s32 $0xD8B8;
	s11 =	simm.s32 $0xDED0;
	s12 =	simm.s32 $0xE0D8  }
0x8: {  	s10 =	simm.s32 $0xE4E8;
	s16 =	simm.s32 $0xE6F0;
	s17 =	simm.s32 $0xE8F8  }
0x9: {  	s19 =	simm.s32 $0x0;
	s3 =	sand.u32 $0x1, s3;
	[smem:$0x7FF] =	sst s2  }
0xa: {  	s4 =	sshll.u32 s4, $0xA;
	s5 =	sshll.u32 s3, $0x9;
	_ =	strace $0x80000047  }
0xb: {  	v0 =	vlaneseq.u32;
	s7 =	ssub.s32 $0x2, s3;
	s3 =	sor.u32 s5, s4;
	s4 =	sadd.s32 $0xF42A00, s6  }
0xc: {  	v1 =	vimm.s32 $0x0;
	vm0 =	vcmask $0x300;
	v0 =	vmul.u32 $0x208, v0;
	s8 =	sshrl.u32 s7, $0x1;
	s5 =	sadd.s32 $0x600, s6;
	s9 =	sshrl.u32 s3, $0x3  }
0xd: {  	v1 =	vsel vm0, $0x3, v1;
	s7 =	ssub.s32 s7, s8;
	s8 =	sadd.s32 $0x8600, s6;
	s1 =	sadd.s32 s1, s9  }
0xe: {  	v2 =	vor.u32 $0x1, v0;
	v3 =	vor.u32 $0x2, v0;
	v4 =	vor.u32 $0x3, v0;
	s6 =	simm.s32 $0xDAC0;
	s0 =	sadd.s32 s0, s9;
	[dreg:$0x4] =	wrdreg s1  }
0xf: {  	v5 =	vor.u32 $0x4, v0;
	v6 =	vor.u32 $0x5, v0;
	v7 =	vor.u32 $0x6, v0;
	s25 =	sadd.s32 s9, s5;
	s28 =	smax.u32 s7, $0x1;
	[dreg:$0x5] =	wrdreg s0  }
0x10: {  	v8 =	vor.u32 $0x7, v0;
	v9 =	vadd.s32 $0x2080, v0;
	v10 =	vadd.s32 $0x2081, v0;
	s7 =	simm.s32 $0xDCC8;
	s26 =	sadd.s32 $0x180000, s25;
	[dreg:$0x8] =	wrdreg s28  }
0x11: {  	v11 =	vadd.s32 $0x2082, v0;
	v12 =	vadd.s32 $0x2083, v0;
	v13 =	vadd.s32 $0x2084, v0;
	s9 =	simm.s32 $0xE2E0;
	s0 =	sadd.s32 $0x188000, s25;
	[dreg:$0x6] =	wrdreg s26  }
0x12: {  	v14 =	vadd.s32 $0x2085, v0;
	v15 =	vadd.s32 $0x2086, v0;
	v16 =	vadd.s32 $0x2087, v0;
	s1 =	simm.s32 $0x1;
	[dreg:$0x7] =	wrdreg s0;
	s0 =	simm.s32 $0xD6B0  }
.LBB2_1:
0x13: {  	[dreg:$0x9] =	wrdreg s19  }
0x14: {  	s18 =	rddreg [dreg:$0x4];
	s28 =	simm.s32 $0x5  }
0x15: {  	[tilespmem:s2], [sflag:$0x5] =	stream.linear.gather [hbm4b:s18+s2], $0x200, $0x38;
	[tilespmem:$0xEB00] =	vst v63  }
0x16: {  	_ =	swait.ge [sflag:s28], $0x200  }
0x17: {  	s20 =	simm.s32 $0x4000;
	[sflag:s28] =	ssyncset.done $0x0  }
0x18: {  	s21 =	simm.s32 $0x200;
	s22 =	rddreg [dreg:$0x5];
	[sflag:s28] =	ssyncadd.s32 $0xFFFFFE00  }
0x19: {  	[tilespmem:s21], [sflag:$0x5] =	stream.strided.gather [hbm4b:s22+s21], $0x6400, s20, s21, $0x38;
	[tilespmem:$0xEB00] =	vst v63  }
0x1a: {  	_ =	swait.ge [sflag:s28], $0x6400  }
0x1b: {  	[sflag:s28] =	ssyncset.done $0x0  }
0x1c: {  	s23 =	simm.s32 $0x0;
	[sflag:s28] =	ssyncadd.s32 $0xFFFF9C00  }
0x1d: {  	v17 =	vld [tilespmem:s23+$0x0];
	_ =	sdelay $0x1  }
0x1e: {  	v18 =	vld [tilespmem:s23+$0x200];
	_ =	sdelay $0x2  }
0x1f: {  	s25 =	sand.u32 $0x600, s2;
	v17 =	vmul.u32 $0x3D090, v17  }
0x20: {  	s26 =	sand.u32 $0x70, s2;
	s28 =	sshrl.u32 s25, $0x2  }
0x21: {  	s18 =	simm.s32 $0x40;
	s19 =	sor.u32 s26, s28;
	v17 =	vadd.s32 v18, v17  }
0x22: {  	s21 =	simm.s32 $0x10;
	s20 =	simm.s32 $0x80;
	[tilespmem:s19+$0x6600] =	vst v17;
	s19 =	simm.s32 $0x0  }
.LBB2_2:
0x23: {  	p0 =	sne.s32 s20, $0x7C0;
	v17 =	vld [tilespmem:s21+$0x0];
	_ =	sdelay $0x1  }
0x24: {  	v18 =	vld [tilespmem:s21+$0x200];
	_ =	sdelay $0x1  }
.Ltmp0:
0x25: {  	(pc) =	sbr.rel @p0 .LBB2_2-.Ltmp0, $4  }
0x26: {  	s19 =	sadd.s32 $0x10, s19;
	s21 =	sand.u32 $0x600, s18;
	s18 =	smov.u32 s20;
	v17 =	vmul.u32 $0x3D090, v17  }
0x27: {  	s22 =	sand.u32 $0x70, s19;
	s21 =	sshrl.u32 s21, $0x2  }
0x28: {  	s22 =	sor.u32 s22, s21;
	v17 =	vadd.s32 v18, v17  }
0x29: {  	s20 =	sadd.s32 $0x40, s20;
	s21 =	sshra.s32 s18, $0x2;
	[tilespmem:s22+$0x6600] =	vst v17  }
0x2a: {  	v17 =	vld [tilespmem:s21+$0x0];
	_ =	sdelay $0x1  }
0x2b: {  	v18 =	vld [tilespmem:s21+$0x200];
	_ =	sdelay $0x2  }
0x2c: {  	s18 =	sand.u32 $0x600, s18;
	s19 =	sadd.s32 $0x10, s19;
	v17 =	vmul.u32 $0x3D090, v17  }
0x2d: {  	s19 =	sand.u32 $0x70, s19;
	s18 =	sshrl.u32 s18, $0x2  }
0x2e: {  	s18 =	sor.u32 s19, s18;
	v17 =	vadd.s32 v18, v17  }
0x2f: {  	s26 =	simm.s32 $0x6600;
	s28 =	simm.s32 $0x6A00;
	[tilespmem:s18+$0x6600] =	vst v17  }
0x30: {  	[tilespmem:s28], [sflag:$0x1] =	stream.indirect.gather [hbm4b:s4+s15], $0x10, s26, s15, $0xb8;
	[tilespmem:$0xEB00] =	vst v63  }
0x31: {  	s20 =	simm.s32 $0x7200;
	s19 =	simm.s32 $0x6680  }
0x32: {  	[tilespmem:s20], [sflag:$0x1] =	stream.indirect.gather [hbm4b:s4+s15], $0x10, s19, s15, $0xb8;
	[tilespmem:$0xEB00] =	vst v63  }
0x33: {  	s21 =	simm.s32 $0x6700;
	s22 =	simm.s32 $0x7A00  }
0x34: {  	[tilespmem:s22], [sflag:$0x1] =	stream.indirect.gather [hbm4b:s4+s15], $0x10, s21, s15, $0xb8;
	[tilespmem:$0xEB00] =	vst v63  }
0x35: {  	s23 =	simm.s32 $0x6780;
	s25 =	simm.s32 $0x8200;
	s26 =	simm.s32 $0x0  }
0x36: {  	[tilespmem:s25], [sflag:$0x1] =	stream.indirect.gather [hbm4b:s4+s15], $0x10, s23, s15, $0xb8;
	[tilespmem:$0xEB00] =	vst v63  }
0x37: {  	v17 =	vld [tilespmem:s26+$0x0];
	_ =	sdelay $0x1  }
0x38: {  	v18 =	vld [tilespmem:s26+$0x400];
	_ =	sdelay $0x1  }
0x39: {  	s18 =	simm.s32 $0x0  }
0x3a: {  	s28 =	sand.u32 $0x600, s18;
	v17 =	vmul.u32 $0x3D090, v17  }
0x3b: {  	s20 =	sand.u32 $0x70, s18;
	s19 =	sshrl.u32 s28, $0x2  }
0x3c: {  	s22 =	sor.u32 s20, s19;
	v17 =	vadd.s32 v18, v17  }
0x3d: {  	s19 =	simm.s32 $0x40;
	s21 =	simm.s32 $0x10;
	s20 =	simm.s32 $0x80;
	[tilespmem:s22+$0x6800] =	vst v17  }
.LBB2_4:
0x3e: {  	p0 =	sne.s32 s20, $0x7C0;
	v17 =	vld [tilespmem:s21+$0x0];
	_ =	sdelay $0x1  }
0x3f: {  	v18 =	vld [tilespmem:s21+$0x400];
	_ =	sdelay $0x1  }
.Ltmp1:
0x40: {  	(pc) =	sbr.rel @p0 .LBB2_4-.Ltmp1, $4  }
0x41: {  	s18 =	sadd.s32 $0x10, s18;
	s21 =	sand.u32 $0x600, s19;
	s19 =	smov.u32 s20;
	v17 =	vmul.u32 $0x3D090, v17  }
0x42: {  	s22 =	sand.u32 $0x70, s18;
	s21 =	sshrl.u32 s21, $0x2  }
0x43: {  	s22 =	sor.u32 s22, s21;
	v17 =	vadd.s32 v18, v17  }
0x44: {  	s20 =	sadd.s32 $0x40, s20;
	s21 =	sshra.s32 s19, $0x2;
	[tilespmem:s22+$0x6800] =	vst v17  }
0x45: {  	v17 =	vld [tilespmem:s21+$0x0];
	_ =	sdelay $0x1  }
0x46: {  	v18 =	vld [tilespmem:s21+$0x400];
	_ =	sdelay $0x2  }
0x47: {  	s19 =	sand.u32 $0x600, s19;
	s18 =	sadd.s32 $0x10, s18;
	v17 =	vmul.u32 $0x3D090, v17  }
0x48: {  	s18 =	sand.u32 $0x70, s18;
	s19 =	sshrl.u32 s19, $0x2  }
0x49: {  	s18 =	sor.u32 s18, s19;
	v17 =	vadd.s32 v18, v17  }
0x4a: {  	s20 =	simm.s32 $0x8A00;
	s19 =	simm.s32 $0x6800;
	[tilespmem:s18+$0x6800] =	vst v17  }
0x4b: {  	[tilespmem:s20], [sflag:$0x2] =	stream.indirect.gather [hbm4b:s4+s15], $0x10, s19, s15, $0xb8;
	[tilespmem:$0xEB00] =	vst v63  }
0x4c: {  	s21 =	simm.s32 $0x6880;
	s22 =	simm.s32 $0x9200;
	s23 =	simm.s32 $0x6900  }
0x4d: {  	[tilespmem:s22], [sflag:$0x2] =	stream.indirect.gather [hbm4b:s4+s15], $0x10, s21, s15, $0xb8;
	[tilespmem:$0xEB00] =	vst v63  }
0x4e: {  	s25 =	simm.s32 $0x9A00;
	s26 =	simm.s32 $0x6980;
	s28 =	simm.s32 $0xA200  }
0x4f: {  	[tilespmem:s25], [sflag:$0x2] =	stream.indirect.gather [hbm4b:s4+s15], $0x10, s23, s15, $0xb8;
	[tilespmem:$0xEB00] =	vst v63  }
0x50: {  	s18 =	simm.s32 $0x0;
	s19 =	simm.s32 $0x600;
	s20 =	simm.s32 $0x800  }
0x51: {  	[tilespmem:s28], [sflag:$0x2] =	stream.indirect.gather [hbm4b:s4+s15], $0x10, s26, s15, $0xb8;
	[tilespmem:$0xEB00] =	vst v63  }
.LBB2_6:
0x52: {  	_ =	swait.ge [sflag:s1], $0x2000;
	s21 =	simm.s32 $0x0  }
0x53: {  	p0 =	seq.s32 s18, $0x0;
	[sflag:s1] =	ssyncset.done $0x0;
	v17 =	vmov s21  }
0x54: {  	s21 =	simm.s32 @!p0 $0x3;
	[sflag:s1] =	ssyncadd.s32 $0xFFFFE000;
	v17 =	vshrl.u32 v17, $0x3  }
0x55: {  	_ =	swait.ge @!p0 [sflag:s21], $0x2000;
	v17 =	vshll.u32 v17, v1  }
0x56: {  	[sflag:s21] =	ssyncset.done @!p0 $0x0;
	v17 =	vbroadcast v17, $0x0  }
0x57: {  	[sflag:s21] =	ssyncadd.s32 @!p0 $0xFFFFE000;
	s21 =	simm.s32 $0x6A40  }
0x58: {  	s22 =	simm.s32 $0x1;
	v18 =	vld [tilespmem:s21+$0xFFFFFFC0];
	v17 =	vadd.s32 v0, v17  }
0x59: {  	v19 =	vmov s22  }
0x5a: {  	v19 =	vshrl.u32 v19, $0x3  }
0x5b: {  	v19 =	vshll.u32 v19, v1  }
0x5c: {  	v19 =	vbroadcast v19, $0x0  }
0x5d: {  	[tilespmem:v17+s13+$0x0] =	vst.idx.msk $0xffff, v18  }
0x5e: {  	s26 =	simm.s32 $0x2;
	v18 =	vadd.s32 v2, v19;
	v17 =	vld [tilespmem:s21+$0xFFFFFFD0]  }
0x5f: {  	v19 =	vmov s26  }
0x60: {  	v19 =	vshrl.u32 v19, $0x3  }
0x61: {  	v19 =	vshll.u32 v19, v1  }
0x62: {  	v19 =	vbroadcast v19, $0x0  }
0x63: {  	[tilespmem:v18+s13+$0x0] =	vst.idx.msk $0xffff, v17  }
0x64: {  	s28 =	simm.s32 $0x3;
	v18 =	vadd.s32 v3, v19;
	v17 =	vld [tilespmem:s21+$0xFFFFFFE0]  }
0x65: {  	v19 =	vmov s28  }
0x66: {  	v19 =	vshrl.u32 v19, $0x3  }
0x67: {  	v19 =	vshll.u32 v19, v1  }
0x68: {  	v19 =	vbroadcast v19, $0x0  }
0x69: {  	[tilespmem:v18+s13+$0x0] =	vst.idx.msk $0xffff, v17  }
0x6a: {  	s23 =	simm.s32 $0x4;
	v18 =	vadd.s32 v4, v19;
	v17 =	vld [tilespmem:s21+$0xFFFFFFF0]  }
0x6b: {  	v19 =	vmov s23  }
0x6c: {  	v19 =	vshrl.u32 v19, $0x3  }
0x6d: {  	v19 =	vshll.u32 v19, v1  }
0x6e: {  	v19 =	vbroadcast v19, $0x0  }
0x6f: {  	[tilespmem:v18+s13+$0x0] =	vst.idx.msk $0xffff, v17  }
0x70: {  	s25 =	simm.s32 $0x5;
	v18 =	vadd.s32 v5, v19;
	v17 =	vld [tilespmem:s21+$0x0]  }
0x71: {  	v19 =	vmov s25  }
0x72: {  	v19 =	vshrl.u32 v19, $0x3  }
0x73: {  	v19 =	vshll.u32 v19, v1  }
0x74: {  	v19 =	vbroadcast v19, $0x0  }
0x75: {  	[tilespmem:v18+s13+$0x0] =	vst.idx.msk $0xffff, v17  }
0x76: {  	s26 =	simm.s32 $0x6;
	v18 =	vadd.s32 v6, v19;
	v17 =	vld [tilespmem:s21+$0x10]  }
0x77: {  	v19 =	vmov s26  }
0x78: {  	v19 =	vshrl.u32 v19, $0x3  }
0x79: {  	v19 =	vshll.u32 v19, v1  }
0x7a: {  	v19 =	vbroadcast v19, $0x0  }
0x7b: {  	[tilespmem:v18+s13+$0x0] =	vst.idx.msk $0xffff, v17  }
0x7c: {  	s28 =	simm.s32 $0x7;
	v18 =	vadd.s32 v7, v19;
	v17 =	vld [tilespmem:s21+$0x20]  }
0x7d: {  	v19 =	vmov s28  }
0x7e: {  	v19 =	vshrl.u32 v19, $0x3  }
0x7f: {  	v19 =	vshll.u32 v19, v1  }
0x80: {  	v19 =	vbroadcast v19, $0x0  }
0x81: {  	[tilespmem:v18+s13+$0x0] =	vst.idx.msk $0xffff, v17  }
0x82: {  	s22 =	simm.s32 $0xF;
	s23 =	simm.s32 $0x17;
	s25 =	simm.s32 $0x8;
	v18 =	vadd.s32 v8, v19;
	v17 =	vld [tilespmem:s21+$0x30]  }
.LBB2_7:
0x83: {  	p1 =	sne.s32 s23, $0x1FF;
	v19 =	vmov s25  }
0x84: {  	v19 =	vshrl.u32 v19, $0x3  }
0x85: {  	v19 =	vshll.u32 v19, v1  }
0x86: {  	v19 =	vbroadcast v19, $0x0  }
0x87: {  	s21 =	sadd.s32 $0x80, s21;
	[tilespmem:v18+s13+$0x0] =	vst.idx.msk $0xffff, v17  }
0x88: {  	s25 =	sadd.s32 $0xFFFFFFFA, s22;
	v17 =	vld [tilespmem:s21+$0xFFFFFFC0];
	v18 =	vadd.s32 v0, v19  }
0x89: {  	v19 =	vmov s25  }
0x8a: {  	v19 =	vshrl.u32 v19, $0x3  }
0x8b: {  	v19 =	vshll.u32 v19, v1  }
0x8c: {  	v19 =	vbroadcast v19, $0x0  }
0x8d: {  	[tilespmem:v18+s13+$0x0] =	vst.idx.msk $0xffff, v17  }
0x8e: {  	s25 =	sadd.s32 $0xFFFFFFFB, s22;
	v18 =	vadd.s32 v2, v19;
	v17 =	vld [tilespmem:s21+$0xFFFFFFD0]  }
0x8f: {  	v19 =	vmov s25  }
0x90: {  	v19 =	vshrl.u32 v19, $0x3  }
0x91: {  	v19 =	vshll.u32 v19, v1  }
0x92: {  	v19 =	vbroadcast v19, $0x0  }
0x93: {  	[tilespmem:v18+s13+$0x0] =	vst.idx.msk $0xffff, v17  }
0x94: {  	s25 =	sadd.s32 $0xFFFFFFFC, s22;
	v18 =	vadd.s32 v3, v19;
	v17 =	vld [tilespmem:s21+$0xFFFFFFE0]  }
0x95: {  	v19 =	vmov s25  }
0x96: {  	v19 =	vshrl.u32 v19, $0x3  }
0x97: {  	v19 =	vshll.u32 v19, v1  }
0x98: {  	v19 =	vbroadcast v19, $0x0  }
0x99: {  	[tilespmem:v18+s13+$0x0] =	vst.idx.msk $0xffff, v17  }
0x9a: {  	s25 =	sadd.s32 $0xFFFFFFFD, s22;
	v18 =	vadd.s32 v4, v19;
	v17 =	vld [tilespmem:s21+$0xFFFFFFF0]  }
0x9b: {  	v19 =	vmov s25  }
0x9c: {  	v19 =	vshrl.u32 v19, $0x3  }
0x9d: {  	v19 =	vshll.u32 v19, v1  }
0x9e: {  	v19 =	vbroadcast v19, $0x0  }
0x9f: {  	[tilespmem:v18+s13+$0x0] =	vst.idx.msk $0xffff, v17  }
0xa0: {  	s25 =	sadd.s32 $0xFFFFFFFE, s22;
	v18 =	vadd.s32 v5, v19;
	v17 =	vld [tilespmem:s21+$0x0]  }
0xa1: {  	v19 =	vmov s25  }
0xa2: {  	v19 =	vshrl.u32 v19, $0x3  }
0xa3: {  	v19 =	vshll.u32 v19, v1  }
0xa4: {  	v19 =	vbroadcast v19, $0x0  }
0xa5: {  	[tilespmem:v18+s13+$0x0] =	vst.idx.msk $0xffff, v17  }
0xa6: {  	s25 =	sadd.s32 $0xFFFFFFFF, s22;
	v18 =	vadd.s32 v6, v19;
	v17 =	vld [tilespmem:s21+$0x10]  }
0xa7: {  	v19 =	vmov s25  }
0xa8: {  	v19 =	vshrl.u32 v19, $0x3  }
0xa9: {  	v19 =	vshll.u32 v19, v1  }
0xaa: {  	v19 =	vbroadcast v19, $0x0  }
0xab: {  	[tilespmem:v18+s13+$0x0] =	vst.idx.msk $0xffff, v17  }
0xac: {  	v18 =	vadd.s32 v7, v19;
	v17 =	vld [tilespmem:s21+$0x20]  }
0xad: {  	v19 =	vmov s22;
	s22 =	smov.u32 s23  }
.Ltmp2:
0xae: {  	v19 =	vshrl.u32 v19, $0x3;
	(pc) =	sbr.rel @p1 .LBB2_7-.Ltmp2, $4  }
0xaf: {  	v19 =	vshll.u32 v19, v1  }
0xb0: {  	v19 =	vbroadcast v19, $0x0  }
0xb1: {  	[tilespmem:v18+s13+$0x0] =	vst.idx.msk $0xffff, v17  }
0xb2: {  	s23 =	sadd.s32 $0x8, s23;
	s25 =	sadd.s32 $0xFFFFFFF9, s22;
	v18 =	vadd.s32 v8, v19;
	v17 =	vld [tilespmem:s21+$0x30]  }
0xb3: {  	v19 =	vmov s25  }
0xb4: {  	v19 =	vshrl.u32 v19, $0x3  }
0xb5: {  	v19 =	vshll.u32 v19, v1  }
0xb6: {  	v19 =	vbroadcast v19, $0x0  }
0xb7: {  	s21 =	sadd.s32 $0x80, s21;
	[tilespmem:v18+s13+$0x0] =	vst.idx.msk $0xffff, v17  }
0xb8: {  	s23 =	sadd.s32 $0xFFFFFFFA, s22;
	v17 =	vld [tilespmem:s21+$0xFFFFFFC0];
	v18 =	vadd.s32 v0, v19  }
0xb9: {  	v19 =	vmov s23  }
0xba: {  	v19 =	vshrl.u32 v19, $0x3  }
0xbb: {  	v19 =	vshll.u32 v19, v1  }
0xbc: {  	v19 =	vbroadcast v19, $0x0  }
0xbd: {  	[tilespmem:v18+s13+$0x0] =	vst.idx.msk $0xffff, v17  }
0xbe: {  	s28 =	sadd.s32 $0xFFFFFFFB, s22;
	v18 =	vadd.s32 v2, v19;
	v17 =	vld [tilespmem:s21+$0xFFFFFFD0]  }
0xbf: {  	v19 =	vmov s28  }
0xc0: {  	v19 =	vshrl.u32 v19, $0x3  }
0xc1: {  	v19 =	vshll.u32 v19, v1  }
0xc2: {  	v19 =	vbroadcast v19, $0x0  }
0xc3: {  	[tilespmem:v18+s13+$0x0] =	vst.idx.msk $0xffff, v17  }
0xc4: {  	s25 =	sadd.s32 $0xFFFFFFFC, s22;
	v18 =	vadd.s32 v3, v19;
	v17 =	vld [tilespmem:s21+$0xFFFFFFE0]  }
0xc5: {  	v19 =	vmov s25  }
0xc6: {  	v19 =	vshrl.u32 v19, $0x3  }
0xc7: {  	v19 =	vshll.u32 v19, v1  }
0xc8: {  	v19 =	vbroadcast v19, $0x0  }
0xc9: {  	[tilespmem:v18+s13+$0x0] =	vst.idx.msk $0xffff, v17  }
0xca: {  	s26 =	sadd.s32 $0xFFFFFFFD, s22;
	v18 =	vadd.s32 v4, v19;
	v17 =	vld [tilespmem:s21+$0xFFFFFFF0]  }
0xcb: {  	v19 =	vmov s26  }
0xcc: {  	v19 =	vshrl.u32 v19, $0x3  }
0xcd: {  	v19 =	vshll.u32 v19, v1  }
0xce: {  	v19 =	vbroadcast v19, $0x0  }
0xcf: {  	[tilespmem:v18+s13+$0x0] =	vst.idx.msk $0xffff, v17  }
0xd0: {  	s28 =	sadd.s32 $0xFFFFFFFE, s22;
	v18 =	vadd.s32 v5, v19;
	v17 =	vld [tilespmem:s21+$0x0]  }
0xd1: {  	v19 =	vmov s28  }
0xd2: {  	v19 =	vshrl.u32 v19, $0x3  }
0xd3: {  	v19 =	vshll.u32 v19, v1  }
0xd4: {  	v19 =	vbroadcast v19, $0x0  }
0xd5: {  	[tilespmem:v18+s13+$0x0] =	vst.idx.msk $0xffff, v17  }
0xd6: {  	s25 =	sadd.s32 $0xFFFFFFFF, s22;
	v18 =	vadd.s32 v6, v19;
	v17 =	vld [tilespmem:s21+$0x10]  }
0xd7: {  	v19 =	vmov s25  }
0xd8: {  	v19 =	vshrl.u32 v19, $0x3  }
0xd9: {  	v19 =	vshll.u32 v19, v1  }
0xda: {  	v19 =	vbroadcast v19, $0x0  }
0xdb: {  	[tilespmem:v18+s13+$0x0] =	vst.idx.msk $0xffff, v17  }
0xdc: {  	v18 =	vadd.s32 v7, v19;
	v17 =	vld [tilespmem:s21+$0x20]  }
0xdd: {  	v19 =	vmov s22  }
0xde: {  	v19 =	vshrl.u32 v19, $0x3  }
0xdf: {  	v19 =	vshll.u32 v19, v1  }
0xe0: {  	v19 =	vbroadcast v19, $0x0  }
0xe1: {  	[tilespmem:v18+s13+$0x0] =	vst.idx.msk $0xffff, v17  }
0xe2: {  	v18 =	vadd.s32 v8, v19;
	v17 =	vld [tilespmem:s21+$0x30];
	_ =	sdelay $0x1  }
0xe3: {  	s26 =	sshll.u32 s18, $0x13  }
0xe4: {  	s21 =	sor.u32 s3, s26  }
0xe5: {  	s21 =	sshrl.u32 s21, $0x3  }
0xe6: {  	s22 =	simm.s32 $0x0;
	s23 =	sadd.s32 s5, s21;
	[tilespmem:v18+s13+$0x0] =	vst.idx.msk $0xffff, v17  }
0xe7: {  	[hbm4b:s23+s22] =	stream.linear.scatter [tilespmem:s13], [sflag:$0x3], $0x200, $0x38;
	[tilespmem:$0xEB00] =	vst v63  }
0xe8: {  	s26 =	simm.s32 $0xAC08;
	s28 =	sadd.s32 $0x800, s23  }
0xe9: {  	[hbm4b:s28+s22] =	stream.linear.scatter [tilespmem:s26], [sflag:$0x3], $0x200, $0x38;
	[tilespmem:$0xEB00] =	vst v63  }
0xea: {  	s26 =	sadd.s32 $0x1000, s23;
	s28 =	simm.s32 $0xAE10  }
0xeb: {  	[hbm4b:s26+s22] =	stream.linear.scatter [tilespmem:s28], [sflag:$0x3], $0x200, $0x38;
	[tilespmem:$0xEB00] =	vst v63  }
0xec: {  	s26 =	sadd.s32 $0x1800, s23;
	s28 =	simm.s32 $0xB018  }
0xed: {  	[hbm4b:s26+s22] =	stream.linear.scatter [tilespmem:s28], [sflag:$0x3], $0x200, $0x38;
	[tilespmem:$0xEB00] =	vst v63  }
0xee: {  	s26 =	sadd.s32 $0x2000, s23;
	s28 =	simm.s32 $0xB220  }
0xef: {  	[hbm4b:s26+s22] =	stream.linear.scatter [tilespmem:s28], [sflag:$0x3], $0x200, $0x38;
	[tilespmem:$0xEB00] =	vst v63  }
0xf0: {  	s26 =	sadd.s32 $0x2800, s23;
	s28 =	simm.s32 $0xB428  }
0xf1: {  	[hbm4b:s26+s22] =	stream.linear.scatter [tilespmem:s28], [sflag:$0x3], $0x200, $0x38;
	[tilespmem:$0xEB00] =	vst v63  }
0xf2: {  	s26 =	sadd.s32 $0x3000, s23;
	s28 =	simm.s32 $0xB630  }
0xf3: {  	[hbm4b:s26+s22] =	stream.linear.scatter [tilespmem:s28], [sflag:$0x3], $0x200, $0x38;
	[tilespmem:$0xEB00] =	vst v63  }
0xf4: {  	s26 =	sadd.s32 $0x3800, s23;
	s28 =	simm.s32 $0xB838  }
0xf5: {  	[hbm4b:s26+s22] =	stream.linear.scatter [tilespmem:s28], [sflag:$0x3], $0x200, $0x38;
	[tilespmem:$0xEB00] =	vst v63  }
0xf6: {  	s26 =	sadd.s32 $0x4000, s23;
	s28 =	simm.s32 $0xBA40  }
0xf7: {  	[hbm4b:s26+s22] =	stream.linear.scatter [tilespmem:s28], [sflag:$0x3], $0x200, $0x38;
	[tilespmem:$0xEB00] =	vst v63  }
0xf8: {  	s26 =	sadd.s32 $0x4800, s23;
	s28 =	simm.s32 $0xBC48  }
0xf9: {  	[hbm4b:s26+s22] =	stream.linear.scatter [tilespmem:s28], [sflag:$0x3], $0x200, $0x38;
	[tilespmem:$0xEB00] =	vst v63  }
0xfa: {  	s26 =	sadd.s32 $0x5000, s23;
	s28 =	simm.s32 $0xBE50  }
0xfb: {  	[hbm4b:s26+s22] =	stream.linear.scatter [tilespmem:s28], [sflag:$0x3], $0x200, $0x38;
	[tilespmem:$0xEB00] =	vst v63  }
0xfc: {  	s26 =	sadd.s32 $0x5800, s23;
	s28 =	simm.s32 $0xC058  }
0xfd: {  	[hbm4b:s26+s22] =	stream.linear.scatter [tilespmem:s28], [sflag:$0x3], $0x200, $0x38;
	[tilespmem:$0xEB00] =	vst v63  }
0xfe: {  	s26 =	sadd.s32 $0x6000, s23;
	s28 =	simm.s32 $0xC260  }
0xff: {  	[hbm4b:s26+s22] =	stream.linear.scatter [tilespmem:s28], [sflag:$0x3], $0x200, $0x38;
	[tilespmem:$0xEB00] =	vst v63  }
0x100: {  	s26 =	sadd.s32 $0x6800, s23;
	s28 =	simm.s32 $0xC468  }
0x101: {  	[hbm4b:s26+s22] =	stream.linear.scatter [tilespmem:s28], [sflag:$0x3], $0x200, $0x38;
	[tilespmem:$0xEB00] =	vst v63  }
0x102: {  	s26 =	sadd.s32 $0x7000, s23;
	s28 =	simm.s32 $0xC670  }
0x103: {  	v17 =	vmov s19;
	[hbm4b:s26+s22] =	stream.linear.scatter [tilespmem:s28], [sflag:$0x3], $0x200, $0x38;
	[tilespmem:$0xEB00] =	vst v63  }
0x104: {  	s25 =	simm.s32 $0x0;
	s23 =	sadd.s32 $0x7800, s23;
	s28 =	simm.s32 $0xC878  }
0x105: {  	[hbm4b:s23+s22] =	stream.linear.scatter [tilespmem:s28], [sflag:$0x3], $0x200, $0x38;
	[tilespmem:$0xEB00] =	vst v63  }
0x106: {  	v18 =	vld [tilespmem:s25+$0x0];
	_ =	sdelay $0x1  }
0x107: {  	v19 =	vld.idx.msk [tilespmem:v17+s25+$0x0 ss:$0x1], $0xffff;
	_ =	sdelay $0x2  }
0x108: {  	s26 =	sand.u32 $0x600, s22;
	v18 =	vmul.u32 $0x3D090, v18  }
0x109: {  	s28 =	sand.u32 $0x70, s22;
	s23 =	sshrl.u32 s26, $0x2  }
0x10a: {  	s28 =	sor.u32 s28, s23;
	v18 =	vadd.s32 v19, v18  }
0x10b: {  	s26 =	simm.s32 $0x10;
	s23 =	simm.s32 $0x40;
	s25 =	simm.s32 $0x80;
	[tilespmem:s28+$0x6600] =	vst v18  }
.LBB2_9:
0x10c: {  	p1 =	sne.s32 s25, $0x7C0;
	v18 =	vld [tilespmem:s26+$0x0]  }
0x10d: {  	v19 =	vld.idx.msk [tilespmem:v17+s26+$0x0 ss:$0x1], $0xffff;
	_ =	sdelay $0x2  }
.Ltmp3:
0x10e: {  	(pc) =	sbr.rel @p1 .LBB2_9-.Ltmp3, $4  }
0x10f: {  	s22 =	sadd.s32 $0x10, s22;
	s26 =	sand.u32 $0x600, s23;
	s23 =	smov.u32 s25;
	v18 =	vmul.u32 $0x3D090, v18  }
0x110: {  	s28 =	sand.u32 $0x70, s22;
	s26 =	sshrl.u32 s26, $0x2  }
0x111: {  	s28 =	sor.u32 s28, s26;
	v18 =	vadd.s32 v19, v18  }
0x112: {  	s25 =	sadd.s32 $0x40, s25;
	s26 =	sshra.s32 s23, $0x2;
	[tilespmem:s28+$0x6600] =	vst v18  }
0x113: {  	_ =	sdelay $0x1  }
0x114: {  	v18 =	vld [tilespmem:s26+$0x0];
	_ =	sdelay $0x1  }
0x115: {  	v17 =	vld.idx.msk [tilespmem:v17+s26+$0x0 ss:$0x1], $0xffff;
	_ =	sdelay $0x2  }
0x116: {  	s23 =	sand.u32 $0x600, s23;
	s22 =	sadd.s32 $0x10, s22;
	v18 =	vmul.u32 $0x3D090, v18  }
0x117: {  	s22 =	sand.u32 $0x70, s22;
	s23 =	sshrl.u32 s23, $0x2  }
0x118: {  	s22 =	sor.u32 s22, s23;
	v17 =	vadd.s32 v17, v18  }
0x119: {  	s26 =	simm.s32 $0x6600;
	s28 =	simm.s32 $0x6A00;
	[tilespmem:s22+$0x6600] =	vst v17  }
0x11a: {  	[tilespmem:s28], [sflag:$0x1] =	stream.indirect.gather [hbm4b:s4+s15], $0x10, s26, s15, $0xb8;
	[tilespmem:$0xEB00] =	vst v63  }
0x11b: {  	s25 =	simm.s32 $0x7200;
	s23 =	simm.s32 $0x6680  }
0x11c: {  	[tilespmem:s25], [sflag:$0x1] =	stream.indirect.gather [hbm4b:s4+s15], $0x10, s23, s15, $0xb8;
	[tilespmem:$0xEB00] =	vst v63  }
0x11d: {  	s26 =	simm.s32 $0x6700;
	s28 =	simm.s32 $0x7A00  }
0x11e: {  	[tilespmem:s28], [sflag:$0x1] =	stream.indirect.gather [hbm4b:s4+s15], $0x10, s26, s15, $0xb8;
	[tilespmem:$0xEB00] =	vst v63  }
0x11f: {  	s23 =	simm.s32 $0x6780;
	s25 =	simm.s32 $0x8200  }
0x120: {  	[tilespmem:s25], [sflag:$0x1] =	stream.indirect.gather [hbm4b:s4+s15], $0x10, s23, s15, $0xb8;
	[tilespmem:$0xEB00] =	vst v63  }
0x121: {  	s26 =	simm.s32 $0x0;
	_ =	swait.ge [sflag:s24], $0x2000  }
0x122: {  	v17 =	vmov s26;
	[sflag:s24] =	ssyncset.done $0x0  }
0x123: {  	s22 =	simm.s32 @!p0 $0x4;
	v17 =	vshrl.u32 v17, $0x3;
	[sflag:s24] =	ssyncadd.s32 $0xFFFFE000  }
0x124: {  	v17 =	vshll.u32 v17, v1;
	_ =	swait.ge @!p0 [sflag:s22], $0x2000  }
0x125: {  	v17 =	vbroadcast v17, $0x0;
	[sflag:s22] =	ssyncset.done @!p0 $0x0  }
0x126: {  	[sflag:s22] =	ssyncadd.s32 @!p0 $0xFFFFE000;
	s22 =	simm.s32 $0x8A70  }
0x127: {  	s28 =	simm.s32 $0x1;
	v17 =	vadd.s32 v9, v17;
	v18 =	vld [tilespmem:s22+$0xFFFFFF90]  }
0x128: {  	v19 =	vmov s28  }
0x129: {  	v19 =	vshrl.u32 v19, $0x3  }
0x12a: {  	v19 =	vshll.u32 v19, v1  }
0x12b: {  	v19 =	vbroadcast v19, $0x0  }
0x12c: {  	[tilespmem:v17+s13+$0x0] =	vst.idx.msk $0xffff, v18  }
0x12d: {  	s25 =	simm.s32 $0x2;
	v18 =	vadd.s32 v10, v19;
	v17 =	vld [tilespmem:s22+$0xFFFFFFA0]  }
0x12e: {  	v19 =	vmov s25  }
0x12f: {  	v19 =	vshrl.u32 v19, $0x3  }
0x130: {  	v19 =	vshll.u32 v19, v1  }
0x131: {  	v19 =	vbroadcast v19, $0x0  }
0x132: {  	[tilespmem:v18+s13+$0x0] =	vst.idx.msk $0xffff, v17  }
0x133: {  	s26 =	simm.s32 $0x3;
	v18 =	vadd.s32 v11, v19;
	v17 =	vld [tilespmem:s22+$0xFFFFFFB0]  }
0x134: {  	v19 =	vmov s26  }
0x135: {  	v19 =	vshrl.u32 v19, $0x3  }
0x136: {  	v19 =	vshll.u32 v19, v1  }
0x137: {  	v19 =	vbroadcast v19, $0x0  }
0x138: {  	[tilespmem:v18+s13+$0x0] =	vst.idx.msk $0xffff, v17  }
0x139: {  	s28 =	simm.s32 $0x4;
	v18 =	vadd.s32 v12, v19;
	v17 =	vld [tilespmem:s22+$0xFFFFFFC0]  }
0x13a: {  	v19 =	vmov s28  }
0x13b: {  	v19 =	vshrl.u32 v19, $0x3  }
0x13c: {  	v19 =	vshll.u32 v19, v1  }
0x13d: {  	v19 =	vbroadcast v19, $0x0  }
0x13e: {  	[tilespmem:v18+s13+$0x0] =	vst.idx.msk $0xffff, v17  }
0x13f: {  	s25 =	simm.s32 $0x5;
	v18 =	vadd.s32 v13, v19;
	v17 =	vld [tilespmem:s22+$0xFFFFFFD0]  }
0x140: {  	v19 =	vmov s25  }
0x141: {  	v19 =	vshrl.u32 v19, $0x3  }
0x142: {  	v19 =	vshll.u32 v19, v1  }
0x143: {  	v19 =	vbroadcast v19, $0x0  }
0x144: {  	[tilespmem:v18+s13+$0x0] =	vst.idx.msk $0xffff, v17  }
0x145: {  	s26 =	simm.s32 $0x6;
	v18 =	vadd.s32 v14, v19;
	v17 =	vld [tilespmem:s22+$0xFFFFFFE0]  }
0x146: {  	v19 =	vmov s26  }
0x147: {  	v19 =	vshrl.u32 v19, $0x3  }
0x148: {  	v19 =	vshll.u32 v19, v1  }
0x149: {  	v19 =	vbroadcast v19, $0x0  }
0x14a: {  	[tilespmem:v18+s13+$0x0] =	vst.idx.msk $0xffff, v17  }
0x14b: {  	s28 =	simm.s32 $0x7;
	v18 =	vadd.s32 v15, v19;
	v17 =	vld [tilespmem:s22+$0xFFFFFFF0]  }
0x14c: {  	v19 =	vmov s28  }
0x14d: {  	v19 =	vshrl.u32 v19, $0x3  }
0x14e: {  	v19 =	vshll.u32 v19, v1  }
0x14f: {  	v19 =	vbroadcast v19, $0x0  }
0x150: {  	[tilespmem:v18+s13+$0x0] =	vst.idx.msk $0xffff, v17  }
0x151: {  	s23 =	simm.s32 $0xF;
	s25 =	simm.s32 $0x17;
	s26 =	simm.s32 $0x8;
	v18 =	vadd.s32 v16, v19;
	v17 =	vld [tilespmem:s22+$0x0]  }
.LBB2_11:
0x152: {  	p0 =	sne.s32 s25, $0x1FF;
	v19 =	vmov s26  }
0x153: {  	v19 =	vshrl.u32 v19, $0x3  }
0x154: {  	v19 =	vshll.u32 v19, v1  }
0x155: {  	v19 =	vbroadcast v19, $0x0  }
0x156: {  	s22 =	sadd.s32 $0x80, s22;
	[tilespmem:v18+s13+$0x0] =	vst.idx.msk $0xffff, v17  }
0x157: {  	s26 =	sadd.s32 $0xFFFFFFFA, s23;
	v17 =	vld [tilespmem:s22+$0xFFFFFF90];
	v18 =	vadd.s32 v9, v19  }
0x158: {  	v19 =	vmov s26  }
0x159: {  	v19 =	vshrl.u32 v19, $0x3  }
0x15a: {  	v19 =	vshll.u32 v19, v1  }
0x15b: {  	v19 =	vbroadcast v19, $0x0  }
0x15c: {  	[tilespmem:v18+s13+$0x0] =	vst.idx.msk $0xffff, v17  }
0x15d: {  	s26 =	sadd.s32 $0xFFFFFFFB, s23;
	v18 =	vadd.s32 v10, v19;
	v17 =	vld [tilespmem:s22+$0xFFFFFFA0]  }
0x15e: {  	v19 =	vmov s26  }
0x15f: {  	v19 =	vshrl.u32 v19, $0x3  }
0x160: {  	v19 =	vshll.u32 v19, v1  }
0x161: {  	v19 =	vbroadcast v19, $0x0  }
0x162: {  	[tilespmem:v18+s13+$0x0] =	vst.idx.msk $0xffff, v17  }
0x163: {  	s26 =	sadd.s32 $0xFFFFFFFC, s23;
	v18 =	vadd.s32 v11, v19;
	v17 =	vld [tilespmem:s22+$0xFFFFFFB0]  }
0x164: {  	v19 =	vmov s26  }
0x165: {  	v19 =	vshrl.u32 v19, $0x3  }
0x166: {  	v19 =	vshll.u32 v19, v1  }
0x167: {  	v19 =	vbroadcast v19, $0x0  }
0x168: {  	[tilespmem:v18+s13+$0x0] =	vst.idx.msk $0xffff, v17  }
0x169: {  	s26 =	sadd.s32 $0xFFFFFFFD, s23;
	v18 =	vadd.s32 v12, v19;
	v17 =	vld [tilespmem:s22+$0xFFFFFFC0]  }
0x16a: {  	v19 =	vmov s26  }
0x16b: {  	v19 =	vshrl.u32 v19, $0x3  }
0x16c: {  	v19 =	vshll.u32 v19, v1  }
0x16d: {  	v19 =	vbroadcast v19, $0x0  }
0x16e: {  	[tilespmem:v18+s13+$0x0] =	vst.idx.msk $0xffff, v17  }
0x16f: {  	s26 =	sadd.s32 $0xFFFFFFFE, s23;
	v18 =	vadd.s32 v13, v19;
	v17 =	vld [tilespmem:s22+$0xFFFFFFD0]  }
0x170: {  	v19 =	vmov s26  }
0x171: {  	v19 =	vshrl.u32 v19, $0x3  }
0x172: {  	v19 =	vshll.u32 v19, v1  }
0x173: {  	v19 =	vbroadcast v19, $0x0  }
0x174: {  	[tilespmem:v18+s13+$0x0] =	vst.idx.msk $0xffff, v17  }
0x175: {  	s26 =	sadd.s32 $0xFFFFFFFF, s23;
	v18 =	vadd.s32 v14, v19;
	v17 =	vld [tilespmem:s22+$0xFFFFFFE0]  }
0x176: {  	v19 =	vmov s26  }
0x177: {  	v19 =	vshrl.u32 v19, $0x3  }
0x178: {  	v19 =	vshll.u32 v19, v1  }
0x179: {  	v19 =	vbroadcast v19, $0x0  }
0x17a: {  	[tilespmem:v18+s13+$0x0] =	vst.idx.msk $0xffff, v17  }
0x17b: {  	v18 =	vadd.s32 v15, v19;
	v17 =	vld [tilespmem:s22+$0xFFFFFFF0]  }
0x17c: {  	v19 =	vmov s23;
	s23 =	smov.u32 s25  }
.Ltmp4:
0x17d: {  	v19 =	vshrl.u32 v19, $0x3;
	(pc) =	sbr.rel @p0 .LBB2_11-.Ltmp4, $4  }
0x17e: {  	v19 =	vshll.u32 v19, v1  }
0x17f: {  	v19 =	vbroadcast v19, $0x0  }
0x180: {  	[tilespmem:v18+s13+$0x0] =	vst.idx.msk $0xffff, v17  }
0x181: {  	s25 =	sadd.s32 $0x8, s25;
	s26 =	sadd.s32 $0xFFFFFFF9, s23;
	v18 =	vadd.s32 v16, v19;
	v17 =	vld [tilespmem:s22+$0x0]  }
0x182: {  	v19 =	vmov s26  }
0x183: {  	v19 =	vshrl.u32 v19, $0x3  }
0x184: {  	v19 =	vshll.u32 v19, v1  }
0x185: {  	v19 =	vbroadcast v19, $0x0  }
0x186: {  	s22 =	sadd.s32 $0x80, s22;
	[tilespmem:v18+s13+$0x0] =	vst.idx.msk $0xffff, v17  }
0x187: {  	s25 =	sadd.s32 $0xFFFFFFFA, s23;
	v17 =	vld [tilespmem:s22+$0xFFFFFF90];
	v18 =	vadd.s32 v9, v19  }
0x188: {  	v19 =	vmov s25  }
0x189: {  	v19 =	vshrl.u32 v19, $0x3  }
0x18a: {  	v19 =	vshll.u32 v19, v1  }
0x18b: {  	v19 =	vbroadcast v19, $0x0  }
0x18c: {  	[tilespmem:v18+s13+$0x0] =	vst.idx.msk $0xffff, v17  }
0x18d: {  	s28 =	sadd.s32 $0xFFFFFFFB, s23;
	v18 =	vadd.s32 v10, v19;
	v17 =	vld [tilespmem:s22+$0xFFFFFFA0]  }
0x18e: {  	v19 =	vmov s28  }
0x18f: {  	v19 =	vshrl.u32 v19, $0x3  }
0x190: {  	v19 =	vshll.u32 v19, v1  }
0x191: {  	v19 =	vbroadcast v19, $0x0  }
0x192: {  	[tilespmem:v18+s13+$0x0] =	vst.idx.msk $0xffff, v17  }
0x193: {  	s26 =	sadd.s32 $0xFFFFFFFC, s23;
	v18 =	vadd.s32 v11, v19;
	v17 =	vld [tilespmem:s22+$0xFFFFFFB0]  }
0x194: {  	v19 =	vmov s26  }
0x195: {  	v19 =	vshrl.u32 v19, $0x3  }
0x196: {  	v19 =	vshll.u32 v19, v1  }
0x197: {  	v19 =	vbroadcast v19, $0x0  }
0x198: {  	[tilespmem:v18+s13+$0x0] =	vst.idx.msk $0xffff, v17  }
0x199: {  	s28 =	sadd.s32 $0xFFFFFFFD, s23;
	v18 =	vadd.s32 v12, v19;
	v17 =	vld [tilespmem:s22+$0xFFFFFFC0]  }
0x19a: {  	v19 =	vmov s28  }
0x19b: {  	v19 =	vshrl.u32 v19, $0x3  }
0x19c: {  	v19 =	vshll.u32 v19, v1  }
0x19d: {  	v19 =	vbroadcast v19, $0x0  }
0x19e: {  	[tilespmem:v18+s13+$0x0] =	vst.idx.msk $0xffff, v17  }
0x19f: {  	s26 =	sadd.s32 $0xFFFFFFFE, s23;
	v18 =	vadd.s32 v13, v19;
	v17 =	vld [tilespmem:s22+$0xFFFFFFD0]  }
0x1a0: {  	v19 =	vmov s26  }
0x1a1: {  	v19 =	vshrl.u32 v19, $0x3  }
0x1a2: {  	v19 =	vshll.u32 v19, v1  }
0x1a3: {  	v19 =	vbroadcast v19, $0x0  }
0x1a4: {  	[tilespmem:v18+s13+$0x0] =	vst.idx.msk $0xffff, v17  }
0x1a5: {  	s28 =	sadd.s32 $0xFFFFFFFF, s23;
	v18 =	vadd.s32 v14, v19;
	v17 =	vld [tilespmem:s22+$0xFFFFFFE0]  }
0x1a6: {  	v19 =	vmov s28  }
0x1a7: {  	v19 =	vshrl.u32 v19, $0x3  }
0x1a8: {  	v19 =	vshll.u32 v19, v1  }
0x1a9: {  	v19 =	vbroadcast v19, $0x0  }
0x1aa: {  	[tilespmem:v18+s13+$0x0] =	vst.idx.msk $0xffff, v17  }
0x1ab: {  	v18 =	vadd.s32 v15, v19;
	v17 =	vld [tilespmem:s22+$0xFFFFFFF0]  }
0x1ac: {  	v19 =	vmov s23  }
0x1ad: {  	v19 =	vshrl.u32 v19, $0x3  }
0x1ae: {  	v19 =	vshll.u32 v19, v1  }
0x1af: {  	v19 =	vbroadcast v19, $0x0  }
0x1b0: {  	[tilespmem:v18+s13+$0x0] =	vst.idx.msk $0xffff, v17  }
0x1b1: {  	v18 =	vadd.s32 v16, v19;
	v17 =	vld [tilespmem:s22+$0x0];
	_ =	sdelay $0x4  }
0x1b2: {  	s25 =	simm.s32 $0xCA80;
	s22 =	sadd.s32 s21, s8;
	s21 =	simm.s32 $0x0;
	[tilespmem:v18+s13+$0x0] =	vst.idx.msk $0xffff, v17  }
0x1b3: {  	[hbm4b:s22+s21] =	stream.linear.scatter [tilespmem:s25], [sflag:$0x4], $0x200, $0x38;
	[tilespmem:$0xEB00] =	vst v63  }
0x1b4: {  	s28 =	simm.s32 $0xCC88;
	s26 =	sadd.s32 $0x800, s22  }
0x1b5: {  	[hbm4b:s26+s21] =	stream.linear.scatter [tilespmem:s28], [sflag:$0x4], $0x200, $0x38;
	[tilespmem:$0xEB00] =	vst v63  }
0x1b6: {  	s26 =	sadd.s32 $0x1000, s22;
	s28 =	simm.s32 $0xCE90  }
0x1b7: {  	[hbm4b:s26+s21] =	stream.linear.scatter [tilespmem:s28], [sflag:$0x4], $0x200, $0x38;
	[tilespmem:$0xEB00] =	vst v63  }
0x1b8: {  	s25 =	sadd.s32 $0x1800, s22  }
0x1b9: {  	[hbm4b:s25+s21] =	stream.linear.scatter [tilespmem:s29], [sflag:$0x4], $0x200, $0x38;
	[tilespmem:$0xEB00] =	vst v63  }
0x1ba: {  	s26 =	sadd.s32 $0x2000, s22  }
0x1bb: {  	[hbm4b:s26+s21] =	stream.linear.scatter [tilespmem:s30], [sflag:$0x4], $0x200, $0x38;
	[tilespmem:$0xEB00] =	vst v63  }
0x1bc: {  	s28 =	sadd.s32 $0x2800, s22  }
0x1bd: {  	[hbm4b:s28+s21] =	stream.linear.scatter [tilespmem:s31], [sflag:$0x4], $0x200, $0x38;
	[tilespmem:$0xEB00] =	vst v63  }
0x1be: {  	s25 =	sadd.s32 $0x3000, s22  }
0x1bf: {  	[hbm4b:s25+s21] =	stream.linear.scatter [tilespmem:s0], [sflag:$0x4], $0x200, $0x38;
	[tilespmem:$0xEB00] =	vst v63  }
0x1c0: {  	s26 =	sadd.s32 $0x3800, s22  }
0x1c1: {  	[hbm4b:s26+s21] =	stream.linear.scatter [tilespmem:s14], [sflag:$0x4], $0x200, $0x38;
	[tilespmem:$0xEB00] =	vst v63  }
0x1c2: {  	s28 =	sadd.s32 $0x4000, s22  }
0x1c3: {  	[hbm4b:s28+s21] =	stream.linear.scatter [tilespmem:s6], [sflag:$0x4], $0x200, $0x38;
	[tilespmem:$0xEB00] =	vst v63  }
0x1c4: {  	s25 =	sadd.s32 $0x4800, s22  }
0x1c5: {  	[hbm4b:s25+s21] =	stream.linear.scatter [tilespmem:s7], [sflag:$0x4], $0x200, $0x38;
	[tilespmem:$0xEB00] =	vst v63  }
0x1c6: {  	s26 =	sadd.s32 $0x5000, s22  }
0x1c7: {  	[hbm4b:s26+s21] =	stream.linear.scatter [tilespmem:s11], [sflag:$0x4], $0x200, $0x38;
	[tilespmem:$0xEB00] =	vst v63  }
0x1c8: {  	s28 =	sadd.s32 $0x5800, s22  }
0x1c9: {  	[hbm4b:s28+s21] =	stream.linear.scatter [tilespmem:s12], [sflag:$0x4], $0x200, $0x38;
	[tilespmem:$0xEB00] =	vst v63  }
0x1ca: {  	s25 =	sadd.s32 $0x6000, s22  }
0x1cb: {  	[hbm4b:s25+s21] =	stream.linear.scatter [tilespmem:s9], [sflag:$0x4], $0x200, $0x38;
	[tilespmem:$0xEB00] =	vst v63  }
0x1cc: {  	s26 =	sadd.s32 $0x6800, s22  }
0x1cd: {  	[hbm4b:s26+s21] =	stream.linear.scatter [tilespmem:s10], [sflag:$0x4], $0x200, $0x38;
	[tilespmem:$0xEB00] =	vst v63  }
0x1ce: {  	s28 =	sadd.s32 $0x7000, s22  }
0x1cf: {  	v17 =	vmov s20;
	[hbm4b:s28+s21] =	stream.linear.scatter [tilespmem:s16], [sflag:$0x4], $0x200, $0x38;
	[tilespmem:$0xEB00] =	vst v63  }
0x1d0: {  	s23 =	simm.s32 $0x0;
	s22 =	sadd.s32 $0x7800, s22  }
0x1d1: {  	[hbm4b:s22+s21] =	stream.linear.scatter [tilespmem:s17], [sflag:$0x4], $0x200, $0x38;
	[tilespmem:$0xEB00] =	vst v63  }
0x1d2: {  	v18 =	vld [tilespmem:s23+$0x0];
	_ =	sdelay $0x1  }
0x1d3: {  	v19 =	vld.idx.msk [tilespmem:v17+s23+$0x0 ss:$0x1], $0xffff;
	_ =	sdelay $0x2  }
0x1d4: {  	s25 =	sand.u32 $0x600, s21;
	v18 =	vmul.u32 $0x3D090, v18  }
0x1d5: {  	s26 =	sand.u32 $0x70, s21;
	s22 =	sshrl.u32 s25, $0x2  }
0x1d6: {  	s28 =	sor.u32 s26, s22;
	v18 =	vadd.s32 v19, v18  }
0x1d7: {  	s25 =	simm.s32 $0x10;
	s22 =	simm.s32 $0x40;
	s23 =	simm.s32 $0x80;
	[tilespmem:s28+$0x6800] =	vst v18  }
.LBB2_13:
0x1d8: {  	p0 =	sne.s32 s23, $0x7C0;
	v18 =	vld [tilespmem:s25+$0x0]  }
0x1d9: {  	v19 =	vld.idx.msk [tilespmem:v17+s25+$0x0 ss:$0x1], $0xffff;
	_ =	sdelay $0x2  }
.Ltmp5:
0x1da: {  	(pc) =	sbr.rel @p0 .LBB2_13-.Ltmp5, $4  }
0x1db: {  	s21 =	sadd.s32 $0x10, s21;
	s25 =	sand.u32 $0x600, s22;
	s22 =	smov.u32 s23;
	v18 =	vmul.u32 $0x3D090, v18  }
0x1dc: {  	s26 =	sand.u32 $0x70, s21;
	s25 =	sshrl.u32 s25, $0x2  }
0x1dd: {  	s26 =	sor.u32 s26, s25;
	v18 =	vadd.s32 v19, v18  }
0x1de: {  	s23 =	sadd.s32 $0x40, s23;
	s25 =	sshra.s32 s22, $0x2;
	[tilespmem:s26+$0x6800] =	vst v18  }
0x1df: {  	_ =	sdelay $0x1  }
0x1e0: {  	v18 =	vld [tilespmem:s25+$0x0];
	_ =	sdelay $0x1  }
0x1e1: {  	v17 =	vld.idx.msk [tilespmem:v17+s25+$0x0 ss:$0x1], $0xffff;
	_ =	sdelay $0x2  }
0x1e2: {  	s22 =	sand.u32 $0x600, s22;
	s21 =	sadd.s32 $0x10, s21;
	v18 =	vmul.u32 $0x3D090, v18  }
0x1e3: {  	s21 =	sand.u32 $0x70, s21;
	s22 =	sshrl.u32 s22, $0x2  }
0x1e4: {  	s21 =	sor.u32 s21, s22;
	v17 =	vadd.s32 v17, v18  }
0x1e5: {  	s23 =	simm.s32 $0x6800;
	s25 =	simm.s32 $0x8A00;
	s18 =	sadd.s32 $0x1, s18;
	[tilespmem:s21+$0x6800] =	vst v17  }
0x1e6: {  	[tilespmem:s25], [sflag:$0x2] =	stream.indirect.gather [hbm4b:s4+s15], $0x10, s23, s15, $0xb8;
	[tilespmem:$0xEB00] =	vst v63  }
0x1e7: {  	s26 =	simm.s32 $0x6880;
	s28 =	simm.s32 $0x9200;
	p0 =	sne.s32 s18, $0x18  }
0x1e8: {  	[tilespmem:s28], [sflag:$0x2] =	stream.indirect.gather [hbm4b:s4+s15], $0x10, s26, s15, $0xb8;
	[tilespmem:$0xEB00] =	vst v63  }
.Ltmp6:
0x1e9: {  	_ = 	snop;
	(pc) =	sbr.rel @p0 .LBB2_6-.Ltmp6, $4  }
0x1ea: {  	s19 =	sadd.s32 $0x400, s19;
	s23 =	simm.s32 $0x6900;
	s25 =	simm.s32 $0x9A00  }
0x1eb: {  	[tilespmem:s25], [sflag:$0x2] =	stream.indirect.gather [hbm4b:s4+s15], $0x10, s23, s15, $0xb8;
	[tilespmem:$0xEB00] =	vst v63  }
0x1ec: {  	s20 =	sadd.s32 $0x400, s20;
	s26 =	simm.s32 $0x6980;
	s28 =	simm.s32 $0xA200  }
0x1ed: {  	[tilespmem:s28], [sflag:$0x2] =	stream.indirect.gather [hbm4b:s4+s15], $0x10, s26, s15, $0xb8;
	[tilespmem:$0xEB00] =	vst v63  }
0x1ee: {  	_ =	swait.ge [sflag:s1], $0x2000;
	s18 =	simm.s32 $0x0  }
0x1ef: {  	[sflag:s1] =	ssyncset.done $0x0;
	v17 =	vmov s18  }
0x1f0: {  	s22 =	simm.s32 $0x3;
	[sflag:s1] =	ssyncadd.s32 $0xFFFFE000;
	v17 =	vshrl.u32 v17, $0x3  }
0x1f1: {  	_ =	swait.ge [sflag:s22], $0x2000;
	v17 =	vshll.u32 v17, v1  }
0x1f2: {  	[sflag:s22] =	ssyncset.done $0x0;
	v17 =	vbroadcast v17, $0x0  }
0x1f3: {  	s18 =	simm.s32 $0x6A40;
	[sflag:s22] =	ssyncadd.s32 $0xFFFFE000  }
0x1f4: {  	s19 =	simm.s32 $0x1;
	v18 =	vld [tilespmem:s18+$0xFFFFFFC0];
	v17 =	vadd.s32 v0, v17  }
0x1f5: {  	v19 =	vmov s19  }
0x1f6: {  	v19 =	vshrl.u32 v19, $0x3  }
0x1f7: {  	v19 =	vshll.u32 v19, v1  }
0x1f8: {  	v19 =	vbroadcast v19, $0x0  }
0x1f9: {  	[tilespmem:v17+s13+$0x0] =	vst.idx.msk $0xffff, v18  }
0x1fa: {  	s20 =	simm.s32 $0x2;
	v18 =	vadd.s32 v2, v19;
	v17 =	vld [tilespmem:s18+$0xFFFFFFD0]  }
0x1fb: {  	v19 =	vmov s20  }
0x1fc: {  	v19 =	vshrl.u32 v19, $0x3  }
0x1fd: {  	v19 =	vshll.u32 v19, v1  }
0x1fe: {  	v19 =	vbroadcast v19, $0x0  }
0x1ff: {  	[tilespmem:v18+s13+$0x0] =	vst.idx.msk $0xffff, v17  }
0x200: {  	s21 =	simm.s32 $0x3;
	v18 =	vadd.s32 v3, v19;
	v17 =	vld [tilespmem:s18+$0xFFFFFFE0]  }
0x201: {  	v19 =	vmov s21  }
0x202: {  	v19 =	vshrl.u32 v19, $0x3  }
0x203: {  	v19 =	vshll.u32 v19, v1  }
0x204: {  	v19 =	vbroadcast v19, $0x0  }
0x205: {  	[tilespmem:v18+s13+$0x0] =	vst.idx.msk $0xffff, v17  }
0x206: {  	s23 =	simm.s32 $0x4;
	v18 =	vadd.s32 v4, v19;
	v17 =	vld [tilespmem:s18+$0xFFFFFFF0]  }
0x207: {  	v19 =	vmov s23  }
0x208: {  	v19 =	vshrl.u32 v19, $0x3  }
0x209: {  	v19 =	vshll.u32 v19, v1  }
0x20a: {  	v19 =	vbroadcast v19, $0x0  }
0x20b: {  	[tilespmem:v18+s13+$0x0] =	vst.idx.msk $0xffff, v17  }
0x20c: {  	s25 =	simm.s32 $0x5;
	v18 =	vadd.s32 v5, v19;
	v17 =	vld [tilespmem:s18+$0x0]  }
0x20d: {  	v19 =	vmov s25  }
0x20e: {  	v19 =	vshrl.u32 v19, $0x3  }
0x20f: {  	v19 =	vshll.u32 v19, v1  }
0x210: {  	v19 =	vbroadcast v19, $0x0  }
0x211: {  	[tilespmem:v18+s13+$0x0] =	vst.idx.msk $0xffff, v17  }
0x212: {  	s26 =	simm.s32 $0x6;
	v18 =	vadd.s32 v6, v19;
	v17 =	vld [tilespmem:s18+$0x10]  }
0x213: {  	v19 =	vmov s26  }
0x214: {  	v19 =	vshrl.u32 v19, $0x3  }
0x215: {  	v19 =	vshll.u32 v19, v1  }
0x216: {  	v19 =	vbroadcast v19, $0x0  }
0x217: {  	[tilespmem:v18+s13+$0x0] =	vst.idx.msk $0xffff, v17  }
0x218: {  	s28 =	simm.s32 $0x7;
	v18 =	vadd.s32 v7, v19;
	v17 =	vld [tilespmem:s18+$0x20]  }
0x219: {  	v19 =	vmov s28  }
0x21a: {  	v19 =	vshrl.u32 v19, $0x3  }
0x21b: {  	v19 =	vshll.u32 v19, v1  }
0x21c: {  	v19 =	vbroadcast v19, $0x0  }
0x21d: {  	[tilespmem:v18+s13+$0x0] =	vst.idx.msk $0xffff, v17  }
0x21e: {  	s19 =	simm.s32 $0xF;
	s20 =	simm.s32 $0x17;
	s21 =	simm.s32 $0x8;
	v18 =	vadd.s32 v8, v19;
	v17 =	vld [tilespmem:s18+$0x30]  }
.LBB2_16:
0x21f: {  	p0 =	sne.s32 s20, $0x1FF;
	v19 =	vmov s21  }
0x220: {  	v19 =	vshrl.u32 v19, $0x3  }
0x221: {  	v19 =	vshll.u32 v19, v1  }
0x222: {  	v19 =	vbroadcast v19, $0x0  }
0x223: {  	s18 =	sadd.s32 $0x80, s18;
	[tilespmem:v18+s13+$0x0] =	vst.idx.msk $0xffff, v17  }
0x224: {  	s21 =	sadd.s32 $0xFFFFFFFA, s19;
	v17 =	vld [tilespmem:s18+$0xFFFFFFC0];
	v18 =	vadd.s32 v0, v19  }
0x225: {  	v19 =	vmov s21  }
0x226: {  	v19 =	vshrl.u32 v19, $0x3  }
0x227: {  	v19 =	vshll.u32 v19, v1  }
0x228: {  	v19 =	vbroadcast v19, $0x0  }
0x229: {  	[tilespmem:v18+s13+$0x0] =	vst.idx.msk $0xffff, v17  }
0x22a: {  	s21 =	sadd.s32 $0xFFFFFFFB, s19;
	v18 =	vadd.s32 v2, v19;
	v17 =	vld [tilespmem:s18+$0xFFFFFFD0]  }
0x22b: {  	v19 =	vmov s21  }
0x22c: {  	v19 =	vshrl.u32 v19, $0x3  }
0x22d: {  	v19 =	vshll.u32 v19, v1  }
0x22e: {  	v19 =	vbroadcast v19, $0x0  }
0x22f: {  	[tilespmem:v18+s13+$0x0] =	vst.idx.msk $0xffff, v17  }
0x230: {  	s21 =	sadd.s32 $0xFFFFFFFC, s19;
	v18 =	vadd.s32 v3, v19;
	v17 =	vld [tilespmem:s18+$0xFFFFFFE0]  }
0x231: {  	v19 =	vmov s21  }
0x232: {  	v19 =	vshrl.u32 v19, $0x3  }
0x233: {  	v19 =	vshll.u32 v19, v1  }
0x234: {  	v19 =	vbroadcast v19, $0x0  }
0x235: {  	[tilespmem:v18+s13+$0x0] =	vst.idx.msk $0xffff, v17  }
0x236: {  	s21 =	sadd.s32 $0xFFFFFFFD, s19;
	v18 =	vadd.s32 v4, v19;
	v17 =	vld [tilespmem:s18+$0xFFFFFFF0]  }
0x237: {  	v19 =	vmov s21  }
0x238: {  	v19 =	vshrl.u32 v19, $0x3  }
0x239: {  	v19 =	vshll.u32 v19, v1  }
0x23a: {  	v19 =	vbroadcast v19, $0x0  }
0x23b: {  	[tilespmem:v18+s13+$0x0] =	vst.idx.msk $0xffff, v17  }
0x23c: {  	s21 =	sadd.s32 $0xFFFFFFFE, s19;
	v18 =	vadd.s32 v5, v19;
	v17 =	vld [tilespmem:s18+$0x0]  }
0x23d: {  	v19 =	vmov s21  }
0x23e: {  	v19 =	vshrl.u32 v19, $0x3  }
0x23f: {  	v19 =	vshll.u32 v19, v1  }
0x240: {  	v19 =	vbroadcast v19, $0x0  }
0x241: {  	[tilespmem:v18+s13+$0x0] =	vst.idx.msk $0xffff, v17  }
0x242: {  	s21 =	sadd.s32 $0xFFFFFFFF, s19;
	v18 =	vadd.s32 v6, v19;
	v17 =	vld [tilespmem:s18+$0x10]  }
0x243: {  	v19 =	vmov s21  }
0x244: {  	v19 =	vshrl.u32 v19, $0x3  }
0x245: {  	v19 =	vshll.u32 v19, v1  }
0x246: {  	v19 =	vbroadcast v19, $0x0  }
0x247: {  	[tilespmem:v18+s13+$0x0] =	vst.idx.msk $0xffff, v17  }
0x248: {  	v18 =	vadd.s32 v7, v19;
	v17 =	vld [tilespmem:s18+$0x20]  }
0x249: {  	v19 =	vmov s19;
	s19 =	smov.u32 s20  }
.Ltmp7:
0x24a: {  	v19 =	vshrl.u32 v19, $0x3;
	(pc) =	sbr.rel @p0 .LBB2_16-.Ltmp7, $4  }
0x24b: {  	v19 =	vshll.u32 v19, v1  }
0x24c: {  	v19 =	vbroadcast v19, $0x0  }
0x24d: {  	[tilespmem:v18+s13+$0x0] =	vst.idx.msk $0xffff, v17  }
0x24e: {  	s20 =	sadd.s32 $0x8, s20;
	s21 =	sadd.s32 $0xFFFFFFF9, s19;
	v18 =	vadd.s32 v8, v19;
	v17 =	vld [tilespmem:s18+$0x30]  }
0x24f: {  	v19 =	vmov s21  }
0x250: {  	v19 =	vshrl.u32 v19, $0x3  }
0x251: {  	v19 =	vshll.u32 v19, v1  }
0x252: {  	v19 =	vbroadcast v19, $0x0  }
0x253: {  	s18 =	sadd.s32 $0x80, s18;
	[tilespmem:v18+s13+$0x0] =	vst.idx.msk $0xffff, v17  }
0x254: {  	s20 =	sadd.s32 $0xFFFFFFFA, s19;
	v17 =	vld [tilespmem:s18+$0xFFFFFFC0];
	v18 =	vadd.s32 v0, v19  }
0x255: {  	v19 =	vmov s20  }
0x256: {  	v19 =	vshrl.u32 v19, $0x3  }
0x257: {  	v19 =	vshll.u32 v19, v1  }
0x258: {  	v19 =	vbroadcast v19, $0x0  }
0x259: {  	[tilespmem:v18+s13+$0x0] =	vst.idx.msk $0xffff, v17  }
0x25a: {  	s23 =	sadd.s32 $0xFFFFFFFB, s19;
	v18 =	vadd.s32 v2, v19;
	v17 =	vld [tilespmem:s18+$0xFFFFFFD0]  }
0x25b: {  	v19 =	vmov s23  }
0x25c: {  	v19 =	vshrl.u32 v19, $0x3  }
0x25d: {  	v19 =	vshll.u32 v19, v1  }
0x25e: {  	v19 =	vbroadcast v19, $0x0  }
0x25f: {  	[tilespmem:v18+s13+$0x0] =	vst.idx.msk $0xffff, v17  }
0x260: {  	s25 =	sadd.s32 $0xFFFFFFFC, s19;
	v18 =	vadd.s32 v3, v19;
	v17 =	vld [tilespmem:s18+$0xFFFFFFE0]  }
0x261: {  	v19 =	vmov s25  }
0x262: {  	v19 =	vshrl.u32 v19, $0x3  }
0x263: {  	v19 =	vshll.u32 v19, v1  }
0x264: {  	v19 =	vbroadcast v19, $0x0  }
0x265: {  	[tilespmem:v18+s13+$0x0] =	vst.idx.msk $0xffff, v17  }
0x266: {  	s26 =	sadd.s32 $0xFFFFFFFD, s19;
	v18 =	vadd.s32 v4, v19;
	v17 =	vld [tilespmem:s18+$0xFFFFFFF0]  }
0x267: {  	v19 =	vmov s26  }
0x268: {  	v19 =	vshrl.u32 v19, $0x3  }
0x269: {  	v19 =	vshll.u32 v19, v1  }
0x26a: {  	v19 =	vbroadcast v19, $0x0  }
0x26b: {  	[tilespmem:v18+s13+$0x0] =	vst.idx.msk $0xffff, v17  }
0x26c: {  	s28 =	sadd.s32 $0xFFFFFFFE, s19;
	v18 =	vadd.s32 v5, v19;
	v17 =	vld [tilespmem:s18+$0x0]  }
0x26d: {  	v19 =	vmov s28  }
0x26e: {  	v19 =	vshrl.u32 v19, $0x3  }
0x26f: {  	v19 =	vshll.u32 v19, v1  }
0x270: {  	v19 =	vbroadcast v19, $0x0  }
0x271: {  	[tilespmem:v18+s13+$0x0] =	vst.idx.msk $0xffff, v17  }
0x272: {  	s21 =	sadd.s32 $0xFFFFFFFF, s19;
	v18 =	vadd.s32 v6, v19;
	v17 =	vld [tilespmem:s18+$0x10]  }
0x273: {  	v19 =	vmov s21  }
0x274: {  	v19 =	vshrl.u32 v19, $0x3  }
0x275: {  	v19 =	vshll.u32 v19, v1  }
0x276: {  	v19 =	vbroadcast v19, $0x0  }
0x277: {  	[tilespmem:v18+s13+$0x0] =	vst.idx.msk $0xffff, v17  }
0x278: {  	v18 =	vadd.s32 v7, v19;
	v17 =	vld [tilespmem:s18+$0x20]  }
0x279: {  	v19 =	vmov s19  }
0x27a: {  	v19 =	vshrl.u32 v19, $0x3  }
0x27b: {  	v19 =	vshll.u32 v19, v1  }
0x27c: {  	v19 =	vbroadcast v19, $0x0  }
0x27d: {  	[tilespmem:v18+s13+$0x0] =	vst.idx.msk $0xffff, v17  }
0x27e: {  	v18 =	vadd.s32 v8, v19;
	v17 =	vld [tilespmem:s18+$0x30];
	_ =	sdelay $0x4  }
0x27f: {  	s19 =	rddreg [dreg:$0x6];
	[tilespmem:v18+s13+$0x0] =	vst.idx.msk $0xffff, v17  }
0x280: {  	[hbm4b:s19+s2] =	stream.linear.scatter [tilespmem:s13], [sflag:$0x3], $0x200, $0x38;
	[tilespmem:$0xEB00] =	vst v63  }
0x281: {  	s25 =	simm.s32 $0xAC08;
	s23 =	sadd.s32 $0x800, s19  }
0x282: {  	[hbm4b:s23+s2] =	stream.linear.scatter [tilespmem:s25], [sflag:$0x3], $0x200, $0x38;
	[tilespmem:$0xEB00] =	vst v63  }
0x283: {  	s28 =	simm.s32 $0xAE10;
	s26 =	sadd.s32 $0x1000, s19  }
0x284: {  	[hbm4b:s26+s2] =	stream.linear.scatter [tilespmem:s28], [sflag:$0x3], $0x200, $0x38;
	[tilespmem:$0xEB00] =	vst v63  }
0x285: {  	s21 =	simm.s32 $0xB018;
	s20 =	sadd.s32 $0x1800, s19  }
0x286: {  	[hbm4b:s20+s2] =	stream.linear.scatter [tilespmem:s21], [sflag:$0x3], $0x200, $0x38;
	[tilespmem:$0xEB00] =	vst v63  }
0x287: {  	s23 =	sadd.s32 $0x2000, s19;
	s25 =	simm.s32 $0xB220  }
0x288: {  	[hbm4b:s23+s2] =	stream.linear.scatter [tilespmem:s25], [sflag:$0x3], $0x200, $0x38;
	[tilespmem:$0xEB00] =	vst v63  }
0x289: {  	s26 =	sadd.s32 $0x2800, s19;
	s28 =	simm.s32 $0xB428  }
0x28a: {  	[hbm4b:s26+s2] =	stream.linear.scatter [tilespmem:s28], [sflag:$0x3], $0x200, $0x38;
	[tilespmem:$0xEB00] =	vst v63  }
0x28b: {  	s20 =	sadd.s32 $0x3000, s19;
	s21 =	simm.s32 $0xB630  }
0x28c: {  	[hbm4b:s20+s2] =	stream.linear.scatter [tilespmem:s21], [sflag:$0x3], $0x200, $0x38;
	[tilespmem:$0xEB00] =	vst v63  }
0x28d: {  	s23 =	sadd.s32 $0x3800, s19;
	s25 =	simm.s32 $0xB838  }
0x28e: {  	[hbm4b:s23+s2] =	stream.linear.scatter [tilespmem:s25], [sflag:$0x3], $0x200, $0x38;
	[tilespmem:$0xEB00] =	vst v63  }
0x28f: {  	s26 =	sadd.s32 $0x4000, s19;
	s28 =	simm.s32 $0xBA40  }
0x290: {  	[hbm4b:s26+s2] =	stream.linear.scatter [tilespmem:s28], [sflag:$0x3], $0x200, $0x38;
	[tilespmem:$0xEB00] =	vst v63  }
0x291: {  	s20 =	sadd.s32 $0x4800, s19;
	s21 =	simm.s32 $0xBC48  }
0x292: {  	[hbm4b:s20+s2] =	stream.linear.scatter [tilespmem:s21], [sflag:$0x3], $0x200, $0x38;
	[tilespmem:$0xEB00] =	vst v63  }
0x293: {  	s23 =	sadd.s32 $0x5000, s19;
	s25 =	simm.s32 $0xBE50  }
0x294: {  	[hbm4b:s23+s2] =	stream.linear.scatter [tilespmem:s25], [sflag:$0x3], $0x200, $0x38;
	[tilespmem:$0xEB00] =	vst v63  }
0x295: {  	s26 =	sadd.s32 $0x5800, s19;
	s28 =	simm.s32 $0xC058  }
0x296: {  	[hbm4b:s26+s2] =	stream.linear.scatter [tilespmem:s28], [sflag:$0x3], $0x200, $0x38;
	[tilespmem:$0xEB00] =	vst v63  }
0x297: {  	s20 =	sadd.s32 $0x6000, s19;
	s21 =	simm.s32 $0xC260  }
0x298: {  	[hbm4b:s20+s2] =	stream.linear.scatter [tilespmem:s21], [sflag:$0x3], $0x200, $0x38;
	[tilespmem:$0xEB00] =	vst v63  }
0x299: {  	s23 =	sadd.s32 $0x6800, s19;
	s25 =	simm.s32 $0xC468  }
0x29a: {  	[hbm4b:s23+s2] =	stream.linear.scatter [tilespmem:s25], [sflag:$0x3], $0x200, $0x38;
	[tilespmem:$0xEB00] =	vst v63  }
0x29b: {  	s26 =	sadd.s32 $0x7000, s19;
	s28 =	simm.s32 $0xC670  }
0x29c: {  	[hbm4b:s26+s2] =	stream.linear.scatter [tilespmem:s28], [sflag:$0x3], $0x200, $0x38;
	[tilespmem:$0xEB00] =	vst v63  }
0x29d: {  	s21 =	sadd.s32 $0x7800, s19;
	s23 =	simm.s32 $0xC878  }
0x29e: {  	[hbm4b:s21+s2] =	stream.linear.scatter [tilespmem:s23], [sflag:$0x3], $0x200, $0x38;
	[tilespmem:$0xEB00] =	vst v63  }
0x29f: {  	s25 =	simm.s32 $0x0;
	_ =	swait.ge [sflag:s24], $0x2000  }
0x2a0: {  	v17 =	vmov s25;
	[sflag:s24] =	ssyncset.done $0x0  }
0x2a1: {  	v17 =	vshrl.u32 v17, $0x3;
	s23 =	simm.s32 $0x4;
	[sflag:s24] =	ssyncadd.s32 $0xFFFFE000  }
0x2a2: {  	v17 =	vshll.u32 v17, v1;
	_ =	swait.ge [sflag:s23], $0x2000  }
0x2a3: {  	v17 =	vbroadcast v17, $0x0;
	[sflag:s23] =	ssyncset.done $0x0  }
0x2a4: {  	s18 =	simm.s32 $0x8A70;
	[sflag:s23] =	ssyncadd.s32 $0xFFFFE000  }
0x2a5: {  	s26 =	simm.s32 $0x1;
	v17 =	vadd.s32 v9, v17;
	v18 =	vld [tilespmem:s18+$0xFFFFFF90]  }
0x2a6: {  	v19 =	vmov s26  }
0x2a7: {  	v19 =	vshrl.u32 v19, $0x3  }
0x2a8: {  	v19 =	vshll.u32 v19, v1  }
0x2a9: {  	v19 =	vbroadcast v19, $0x0  }
0x2aa: {  	[tilespmem:v17+s13+$0x0] =	vst.idx.msk $0xffff, v18  }
0x2ab: {  	s28 =	simm.s32 $0x2;
	v18 =	vadd.s32 v10, v19;
	v17 =	vld [tilespmem:s18+$0xFFFFFFA0]  }
0x2ac: {  	v19 =	vmov s28  }
0x2ad: {  	v19 =	vshrl.u32 v19, $0x3  }
0x2ae: {  	v19 =	vshll.u32 v19, v1  }
0x2af: {  	v19 =	vbroadcast v19, $0x0  }
0x2b0: {  	[tilespmem:v18+s13+$0x0] =	vst.idx.msk $0xffff, v17  }
0x2b1: {  	s20 =	simm.s32 $0x3;
	v18 =	vadd.s32 v11, v19;
	v17 =	vld [tilespmem:s18+$0xFFFFFFB0]  }
0x2b2: {  	v19 =	vmov s20  }
0x2b3: {  	v19 =	vshrl.u32 v19, $0x3  }
0x2b4: {  	v19 =	vshll.u32 v19, v1  }
0x2b5: {  	v19 =	vbroadcast v19, $0x0  }
0x2b6: {  	[tilespmem:v18+s13+$0x0] =	vst.idx.msk $0xffff, v17  }
0x2b7: {  	s21 =	simm.s32 $0x4;
	v18 =	vadd.s32 v12, v19;
	v17 =	vld [tilespmem:s18+$0xFFFFFFC0]  }
0x2b8: {  	v19 =	vmov s21  }
0x2b9: {  	v19 =	vshrl.u32 v19, $0x3  }
0x2ba: {  	v19 =	vshll.u32 v19, v1  }
0x2bb: {  	v19 =	vbroadcast v19, $0x0  }
0x2bc: {  	[tilespmem:v18+s13+$0x0] =	vst.idx.msk $0xffff, v17  }
0x2bd: {  	s25 =	simm.s32 $0x5;
	v18 =	vadd.s32 v13, v19;
	v17 =	vld [tilespmem:s18+$0xFFFFFFD0]  }
0x2be: {  	v19 =	vmov s25  }
0x2bf: {  	v19 =	vshrl.u32 v19, $0x3  }
0x2c0: {  	v19 =	vshll.u32 v19, v1  }
0x2c1: {  	v19 =	vbroadcast v19, $0x0  }
0x2c2: {  	[tilespmem:v18+s13+$0x0] =	vst.idx.msk $0xffff, v17  }
0x2c3: {  	s26 =	simm.s32 $0x6;
	v18 =	vadd.s32 v14, v19;
	v17 =	vld [tilespmem:s18+$0xFFFFFFE0]  }
0x2c4: {  	v19 =	vmov s26  }
0x2c5: {  	v19 =	vshrl.u32 v19, $0x3  }
0x2c6: {  	v19 =	vshll.u32 v19, v1  }
0x2c7: {  	v19 =	vbroadcast v19, $0x0  }
0x2c8: {  	[tilespmem:v18+s13+$0x0] =	vst.idx.msk $0xffff, v17  }
0x2c9: {  	s28 =	simm.s32 $0x7;
	v18 =	vadd.s32 v15, v19;
	v17 =	vld [tilespmem:s18+$0xFFFFFFF0]  }
0x2ca: {  	v19 =	vmov s28  }
0x2cb: {  	v19 =	vshrl.u32 v19, $0x3  }
0x2cc: {  	v19 =	vshll.u32 v19, v1  }
0x2cd: {  	v19 =	vbroadcast v19, $0x0  }
0x2ce: {  	[tilespmem:v18+s13+$0x0] =	vst.idx.msk $0xffff, v17  }
0x2cf: {  	s19 =	simm.s32 $0xF;
	s20 =	simm.s32 $0x17;
	s21 =	simm.s32 $0x8;
	v18 =	vadd.s32 v16, v19;
	v17 =	vld [tilespmem:s18+$0x0]  }
.LBB2_18:
0x2d0: {  	p0 =	sne.s32 s20, $0x1FF;
	v19 =	vmov s21  }
0x2d1: {  	v19 =	vshrl.u32 v19, $0x3  }
0x2d2: {  	v19 =	vshll.u32 v19, v1  }
0x2d3: {  	v19 =	vbroadcast v19, $0x0  }
0x2d4: {  	s18 =	sadd.s32 $0x80, s18;
	[tilespmem:v18+s13+$0x0] =	vst.idx.msk $0xffff, v17  }
0x2d5: {  	s21 =	sadd.s32 $0xFFFFFFFA, s19;
	v17 =	vld [tilespmem:s18+$0xFFFFFF90];
	v18 =	vadd.s32 v9, v19  }
0x2d6: {  	v19 =	vmov s21  }
0x2d7: {  	v19 =	vshrl.u32 v19, $0x3  }
0x2d8: {  	v19 =	vshll.u32 v19, v1  }
0x2d9: {  	v19 =	vbroadcast v19, $0x0  }
0x2da: {  	[tilespmem:v18+s13+$0x0] =	vst.idx.msk $0xffff, v17  }
0x2db: {  	s21 =	sadd.s32 $0xFFFFFFFB, s19;
	v18 =	vadd.s32 v10, v19;
	v17 =	vld [tilespmem:s18+$0xFFFFFFA0]  }
0x2dc: {  	v19 =	vmov s21  }
0x2dd: {  	v19 =	vshrl.u32 v19, $0x3  }
0x2de: {  	v19 =	vshll.u32 v19, v1  }
0x2df: {  	v19 =	vbroadcast v19, $0x0  }
0x2e0: {  	[tilespmem:v18+s13+$0x0] =	vst.idx.msk $0xffff, v17  }
0x2e1: {  	s21 =	sadd.s32 $0xFFFFFFFC, s19;
	v18 =	vadd.s32 v11, v19;
	v17 =	vld [tilespmem:s18+$0xFFFFFFB0]  }
0x2e2: {  	v19 =	vmov s21  }
0x2e3: {  	v19 =	vshrl.u32 v19, $0x3  }
0x2e4: {  	v19 =	vshll.u32 v19, v1  }
0x2e5: {  	v19 =	vbroadcast v19, $0x0  }
0x2e6: {  	[tilespmem:v18+s13+$0x0] =	vst.idx.msk $0xffff, v17  }
0x2e7: {  	s21 =	sadd.s32 $0xFFFFFFFD, s19;
	v18 =	vadd.s32 v12, v19;
	v17 =	vld [tilespmem:s18+$0xFFFFFFC0]  }
0x2e8: {  	v19 =	vmov s21  }
0x2e9: {  	v19 =	vshrl.u32 v19, $0x3  }
0x2ea: {  	v19 =	vshll.u32 v19, v1  }
0x2eb: {  	v19 =	vbroadcast v19, $0x0  }
0x2ec: {  	[tilespmem:v18+s13+$0x0] =	vst.idx.msk $0xffff, v17  }
0x2ed: {  	s21 =	sadd.s32 $0xFFFFFFFE, s19;
	v18 =	vadd.s32 v13, v19;
	v17 =	vld [tilespmem:s18+$0xFFFFFFD0]  }
0x2ee: {  	v19 =	vmov s21  }
0x2ef: {  	v19 =	vshrl.u32 v19, $0x3  }
0x2f0: {  	v19 =	vshll.u32 v19, v1  }
0x2f1: {  	v19 =	vbroadcast v19, $0x0  }
0x2f2: {  	[tilespmem:v18+s13+$0x0] =	vst.idx.msk $0xffff, v17  }
0x2f3: {  	s21 =	sadd.s32 $0xFFFFFFFF, s19;
	v18 =	vadd.s32 v14, v19;
	v17 =	vld [tilespmem:s18+$0xFFFFFFE0]  }
0x2f4: {  	v19 =	vmov s21  }
0x2f5: {  	v19 =	vshrl.u32 v19, $0x3  }
0x2f6: {  	v19 =	vshll.u32 v19, v1  }
0x2f7: {  	v19 =	vbroadcast v19, $0x0  }
0x2f8: {  	[tilespmem:v18+s13+$0x0] =	vst.idx.msk $0xffff, v17  }
0x2f9: {  	v18 =	vadd.s32 v15, v19;
	v17 =	vld [tilespmem:s18+$0xFFFFFFF0]  }
0x2fa: {  	v19 =	vmov s19;
	s19 =	smov.u32 s20  }
.Ltmp8:
0x2fb: {  	v19 =	vshrl.u32 v19, $0x3;
	(pc) =	sbr.rel @p0 .LBB2_18-.Ltmp8, $4  }
0x2fc: {  	v19 =	vshll.u32 v19, v1  }
0x2fd: {  	v19 =	vbroadcast v19, $0x0  }
0x2fe: {  	[tilespmem:v18+s13+$0x0] =	vst.idx.msk $0xffff, v17  }
0x2ff: {  	s20 =	sadd.s32 $0x8, s20;
	s21 =	sadd.s32 $0xFFFFFFF9, s19;
	v18 =	vadd.s32 v16, v19;
	v17 =	vld [tilespmem:s18+$0x0]  }
0x300: {  	v19 =	vmov s21  }
0x301: {  	v19 =	vshrl.u32 v19, $0x3  }
0x302: {  	v19 =	vshll.u32 v19, v1  }
0x303: {  	v19 =	vbroadcast v19, $0x0  }
0x304: {  	s18 =	sadd.s32 $0x80, s18;
	[tilespmem:v18+s13+$0x0] =	vst.idx.msk $0xffff, v17  }
0x305: {  	s20 =	sadd.s32 $0xFFFFFFFA, s19;
	v17 =	vld [tilespmem:s18+$0xFFFFFF90];
	v18 =	vadd.s32 v9, v19  }
0x306: {  	v19 =	vmov s20  }
0x307: {  	v19 =	vshrl.u32 v19, $0x3  }
0x308: {  	v19 =	vshll.u32 v19, v1  }
0x309: {  	v19 =	vbroadcast v19, $0x0  }
0x30a: {  	[tilespmem:v18+s13+$0x0] =	vst.idx.msk $0xffff, v17  }
0x30b: {  	s28 =	sadd.s32 $0xFFFFFFFB, s19;
	v18 =	vadd.s32 v10, v19;
	v17 =	vld [tilespmem:s18+$0xFFFFFFA0]  }
0x30c: {  	v19 =	vmov s28  }
0x30d: {  	v19 =	vshrl.u32 v19, $0x3  }
0x30e: {  	v19 =	vshll.u32 v19, v1  }
0x30f: {  	v19 =	vbroadcast v19, $0x0  }
0x310: {  	[tilespmem:v18+s13+$0x0] =	vst.idx.msk $0xffff, v17  }
0x311: {  	s21 =	sadd.s32 $0xFFFFFFFC, s19;
	v18 =	vadd.s32 v11, v19;
	v17 =	vld [tilespmem:s18+$0xFFFFFFB0]  }
0x312: {  	v19 =	vmov s21  }
0x313: {  	v19 =	vshrl.u32 v19, $0x3  }
0x314: {  	v19 =	vshll.u32 v19, v1  }
0x315: {  	v19 =	vbroadcast v19, $0x0  }
0x316: {  	[tilespmem:v18+s13+$0x0] =	vst.idx.msk $0xffff, v17  }
0x317: {  	s25 =	sadd.s32 $0xFFFFFFFD, s19;
	v18 =	vadd.s32 v12, v19;
	v17 =	vld [tilespmem:s18+$0xFFFFFFC0]  }
0x318: {  	v19 =	vmov s25  }
0x319: {  	v19 =	vshrl.u32 v19, $0x3  }
0x31a: {  	v19 =	vshll.u32 v19, v1  }
0x31b: {  	v19 =	vbroadcast v19, $0x0  }
0x31c: {  	[tilespmem:v18+s13+$0x0] =	vst.idx.msk $0xffff, v17  }
0x31d: {  	s26 =	sadd.s32 $0xFFFFFFFE, s19;
	v18 =	vadd.s32 v13, v19;
	v17 =	vld [tilespmem:s18+$0xFFFFFFD0]  }
0x31e: {  	v19 =	vmov s26  }
0x31f: {  	v19 =	vshrl.u32 v19, $0x3  }
0x320: {  	v19 =	vshll.u32 v19, v1  }
0x321: {  	v19 =	vbroadcast v19, $0x0  }
0x322: {  	[tilespmem:v18+s13+$0x0] =	vst.idx.msk $0xffff, v17  }
0x323: {  	s28 =	sadd.s32 $0xFFFFFFFF, s19;
	v18 =	vadd.s32 v14, v19;
	v17 =	vld [tilespmem:s18+$0xFFFFFFE0]  }
0x324: {  	v19 =	vmov s28  }
0x325: {  	v19 =	vshrl.u32 v19, $0x3  }
0x326: {  	v19 =	vshll.u32 v19, v1  }
0x327: {  	v19 =	vbroadcast v19, $0x0  }
0x328: {  	[tilespmem:v18+s13+$0x0] =	vst.idx.msk $0xffff, v17  }
0x329: {  	v18 =	vadd.s32 v15, v19;
	v17 =	vld [tilespmem:s18+$0xFFFFFFF0]  }
0x32a: {  	v19 =	vmov s19  }
0x32b: {  	v19 =	vshrl.u32 v19, $0x3  }
0x32c: {  	v19 =	vshll.u32 v19, v1  }
0x32d: {  	v19 =	vbroadcast v19, $0x0  }
0x32e: {  	[tilespmem:v18+s13+$0x0] =	vst.idx.msk $0xffff, v17  }
0x32f: {  	v18 =	vadd.s32 v16, v19;
	v17 =	vld [tilespmem:s18+$0x0];
	_ =	sdelay $0x4  }
0x330: {  	s20 =	simm.s32 $0xCA80;
	s19 =	rddreg [dreg:$0x7];
	[tilespmem:v18+s13+$0x0] =	vst.idx.msk $0xffff, v17  }
0x331: {  	[hbm4b:s19+s2] =	stream.linear.scatter [tilespmem:s20], [sflag:$0x4], $0x200, $0x38;
	[tilespmem:$0xEB00] =	vst v63  }
0x332: {  	s25 =	simm.s32 $0xCC88;
	s21 =	sadd.s32 $0x800, s19  }
0x333: {  	[hbm4b:s21+s2] =	stream.linear.scatter [tilespmem:s25], [sflag:$0x4], $0x200, $0x38;
	[tilespmem:$0xEB00] =	vst v63  }
0x334: {  	s28 =	simm.s32 $0xCE90;
	s26 =	sadd.s32 $0x1000, s19  }
0x335: {  	[hbm4b:s26+s2] =	stream.linear.scatter [tilespmem:s28], [sflag:$0x4], $0x200, $0x38;
	[tilespmem:$0xEB00] =	vst v63  }
0x336: {  	s20 =	sadd.s32 $0x1800, s19  }
0x337: {  	[hbm4b:s20+s2] =	stream.linear.scatter [tilespmem:s29], [sflag:$0x4], $0x200, $0x38;
	[tilespmem:$0xEB00] =	vst v63  }
0x338: {  	s21 =	sadd.s32 $0x2000, s19  }
0x339: {  	[hbm4b:s21+s2] =	stream.linear.scatter [tilespmem:s30], [sflag:$0x4], $0x200, $0x38;
	[tilespmem:$0xEB00] =	vst v63  }
0x33a: {  	s25 =	sadd.s32 $0x2800, s19  }
0x33b: {  	[hbm4b:s25+s2] =	stream.linear.scatter [tilespmem:s31], [sflag:$0x4], $0x200, $0x38;
	[tilespmem:$0xEB00] =	vst v63  }
0x33c: {  	s26 =	sadd.s32 $0x3000, s19  }
0x33d: {  	[hbm4b:s26+s2] =	stream.linear.scatter [tilespmem:s0], [sflag:$0x4], $0x200, $0x38;
	[tilespmem:$0xEB00] =	vst v63  }
0x33e: {  	s28 =	sadd.s32 $0x3800, s19  }
0x33f: {  	[hbm4b:s28+s2] =	stream.linear.scatter [tilespmem:s14], [sflag:$0x4], $0x200, $0x38;
	[tilespmem:$0xEB00] =	vst v63  }
0x340: {  	s20 =	sadd.s32 $0x4000, s19  }
0x341: {  	[hbm4b:s20+s2] =	stream.linear.scatter [tilespmem:s6], [sflag:$0x4], $0x200, $0x38;
	[tilespmem:$0xEB00] =	vst v63  }
0x342: {  	s21 =	sadd.s32 $0x4800, s19  }
0x343: {  	[hbm4b:s21+s2] =	stream.linear.scatter [tilespmem:s7], [sflag:$0x4], $0x200, $0x38;
	[tilespmem:$0xEB00] =	vst v63  }
0x344: {  	s25 =	sadd.s32 $0x5000, s19  }
0x345: {  	[hbm4b:s25+s2] =	stream.linear.scatter [tilespmem:s11], [sflag:$0x4], $0x200, $0x38;
	[tilespmem:$0xEB00] =	vst v63  }
0x346: {  	s26 =	sadd.s32 $0x5800, s19  }
0x347: {  	[hbm4b:s26+s2] =	stream.linear.scatter [tilespmem:s12], [sflag:$0x4], $0x200, $0x38;
	[tilespmem:$0xEB00] =	vst v63  }
0x348: {  	s28 =	sadd.s32 $0x6000, s19  }
0x349: {  	[hbm4b:s28+s2] =	stream.linear.scatter [tilespmem:s9], [sflag:$0x4], $0x200, $0x38;
	[tilespmem:$0xEB00] =	vst v63  }
0x34a: {  	s20 =	sadd.s32 $0x6800, s19  }
0x34b: {  	[hbm4b:s20+s2] =	stream.linear.scatter [tilespmem:s10], [sflag:$0x4], $0x200, $0x38;
	[tilespmem:$0xEB00] =	vst v63  }
0x34c: {  	s21 =	sadd.s32 $0x7000, s19  }
0x34d: {  	[hbm4b:s21+s2] =	stream.linear.scatter [tilespmem:s16], [sflag:$0x4], $0x200, $0x38;
	[tilespmem:$0xEB00] =	vst v63  }
0x34e: {  	s25 =	sadd.s32 $0x7800, s19  }
0x34f: {  	[hbm4b:s25+s2] =	stream.linear.scatter [tilespmem:s17], [sflag:$0x4], $0x200, $0x38;
	[tilespmem:$0xEB00] =	vst v63  }
0x350: {  	_ =	swait.ge [sflag:s22], $0x2000  }
0x351: {  	[sflag:s22] =	ssyncset.done $0x0  }
0x352: {  	[sflag:s22] =	ssyncadd.s32 $0xFFFFE000  }
0x353: {  	_ =	swait.ge [sflag:s23], $0x2000  }
0x354: {  	s26 =	rddreg [dreg:$0x9]  }
0x355: {  	s28 =	rddreg [dreg:$0x8];
	s19 =	sadd.s32 $0x1, s26  }
0x356: {  	p0 =	sne.s32 s19, s28  }
.Ltmp9:
0x357: {  	_ = 	snop;
	(pc) =	sbr.rel @p0 .LBB2_1-.Ltmp9, $3  }
0x358: {  	_ =	sdelay $0x1  }
0x359: {  	[sflag:s23] =	ssyncset.done $0x0  }
0x35a: {  	[sflag:s23] =	ssyncadd.s32 $0xFFFFE000  }
0x35b: {  	_ =	sfence.sel $0x180000  }
0x35c: {  	[bflag:$0x0] =	sbarrier.arrive $0xFFFF  }
0x35d: {  	_ =	strace $0x90000047  }
0x35e: {  	s0 =	stileid.u32;
	[bflag:$0x2] =	sbarrier.arrive $0xFFFF  }
0x35f: {  	p0 =	sne.s32 s0, $0x0;
	s0 =	rddreg [dreg:$0x3]  }
0x360: {  	s0 =	sadd.s32 @!p0 $0x100000, s0  }
0x361: {  	[sflag:s0] =	ssyncadd.tile.s32 @!p0 $0x1;
	_ =	shalt  }
.Lfunc_end2:
_tile_overlayer_lowered:
.L_overlay_start_2:
0x362: {  	(tag) =	ssettag $0x2  }
0x363: {  	s0 =	rddreg [dreg:$0x0];
	s2 =	stileid.u32  }
0x364: {  	s1 =	rddreg [dreg:$0x1];
	p0 =	sne.s32 s2, $0x0  }
0x365: {  	s3 =	rddreg [dreg:$0x2];
	[bflag:$0x3] =	sbarrier.arrive $0xFFFF;
	s2 =	simm.s32 @!p0 $0x1C05  }
0x366: {  	[timem:s3], [sflag:s2] =	dma.local @!p0 [hbm:s0], s1  }
0x367: {  	s0 =	simm.s32 @!p0 $0x5  }
0x368: {  	_ =	swait.ge @!p0 [sflag:s0], s1  }
0x369: {  	s1 =	ssub.s32 @!p0 $0x0, s1;
	[sflag:s0] =	ssyncset.done @!p0 $0x0  }
0x36a: {  	[sflag:s0] =	ssyncadd.s32 @!p0 s1  }
0x36b: {  	[bflag:$0x3] =	sbarrier.arrive $0xFFFF  }
0x36c: {  	_ =	shalt  }

</sc_bundles>
